<compile_context>
chip_gen: v7x
topology: tpu7x:2x2x1
jax: 0.10.2.dev20260603
libtpu: 0.0.44.dev20260713+nightly
codegen_flags: <defaults>
</compile_context>

<pallas_src>
import functools

import jax
import jax.numpy as jnp
from jax import lax
from jax.experimental import pallas as pl
from jax.experimental.pallas import tpu as pltpu
from jax.experimental.pallas import tpu_sc as plsc

_COMB_L = (2205, 2469, 2690, 2998, 3175, 3439, 3627, 4001)
_COMB_R = (2277, 2709, 2924, 3175, 3351, 3487, 3660, 4117)
_AP_L = (556, 441, 341, 225)
_AP_R = (579, 464, 396, 289)
_ALL_D = _COMB_L + _COMB_R + _AP_L + _AP_R

_T = 2048
_B = 16
_NB = _T // _B


def _ceil16(n):
    return -(-n // 16) * 16

_AP_Z = _ceil16(max(_AP_L + _AP_R))

_P_WET1, _P_WET2, _P_DRY = 24, 25, 26


def _fv_body(x_hbm, fb_hbm, yl_hbm, yr_hbm, x_v, fb_v, yl_v, yr_v, *rows):
    cid = lax.axis_index("c")
    sid = lax.axis_index("s")

    @pl.when(jnp.logical_and(cid == 0, sid == 0))
    def _():
        pltpu.sync_copy(x_hbm, x_v)
        pltpu.sync_copy(fb_hbm, fb_v)

        zero = jnp.zeros((_B,), jnp.float32)

        def zero_combs(i, c):
            off = i * _B
            for f in range(16):
                rows[f][pl.ds(off, _B)] = zero
            return c

        lax.fori_loop(0, _NB, zero_combs, 0)

        def zero_aps(i, c):
            off = i * _B
            for f in range(16, 24):
                rows[f][pl.ds(off, _B)] = zero
            return c

        lax.fori_loop(0, _AP_Z // _B, zero_aps, 0)

        def pget(i):
            return fb_v[pl.ds(i * _B, _B)]

        cfb = [pget(j) for j in range(16)]
        afb = [pget(16 + j) for j in range(8)]
        wet1 = pget(_P_WET1)
        wet2 = pget(_P_WET2)
        dry = pget(_P_DRY)

        def block(t0):
            xb = x_v[pl.ds(t0, _B)]
            inp = xb * 0.015
            s_l = zero
            s_r = zero
            for j in range(8):
                d = _ALL_D[j]
                o = rows[j][pl.ds(t0, _B)]
                rows[j][pl.ds(d + t0, _B)] = inp + o * cfb[j]
                s_l = s_l + o
            for j in range(8):
                d = _ALL_D[8 + j]
                o = rows[8 + j][pl.ds(t0, _B)]
                rows[8 + j][pl.ds(d + t0, _B)] = inp + o * cfb[8 + j]
                s_r = s_r + o
            for j in range(4):
                d = _ALL_D[16 + j]
                bo = rows[16 + j][pl.ds(t0, _B)]
                rows[16 + j][pl.ds(d + t0, _B)] = s_l + bo * afb[j]
                s_l = bo - s_l
            for j in range(4):
                d = _ALL_D[20 + j]
                bo = rows[20 + j][pl.ds(t0, _B)]
                rows[20 + j][pl.ds(d + t0, _B)] = s_r + bo * afb[4 + j]
                s_r = bo - s_r
            yl_v[pl.ds(t0, _B)] = s_l * wet1 + s_r * wet2 + xb * dry
            yr_v[pl.ds(t0, _B)] = s_r * wet1 + s_l * wet2 + xb * dry

        def step(i, c):
            block(i * (2 * _B))
            block(i * (2 * _B) + _B)
            return c

        lax.fori_loop(0, _NB // 2, step, 0)

        pltpu.sync_copy(yl_v, yl_hbm)
        pltpu.sync_copy(yr_v, yr_hbm)


_fv_call = functools.partial(
    pl.kernel,
    out_type=[jax.ShapeDtypeStruct((_T,), jnp.float32)] * 2,
    mesh=plsc.VectorSubcoreMesh(
        core_axis_name="c", subcore_axis_name="s", num_cores=2, num_subcores=16
    ),
    compiler_params=pltpu.CompilerParams(needs_layout_passes=False),
    scratch_types=[
        pltpu.VMEM((_T,), jnp.float32),
        pltpu.VMEM((32 * _B,), jnp.float32),
        pltpu.VMEM((_T,), jnp.float32),
        pltpu.VMEM((_T,), jnp.float32),
    ]
    + [pltpu.VMEM((_ceil16(_d + _T),), jnp.float32) for _d in _ALL_D],
)(_fv_body)


@jax.jit
def kernel(x, combL_fb, combR_fb, apL_fb, apR_fb, wet1, wet2, dry):
    fbs = jnp.concatenate(
        [
            combL_fb.astype(jnp.float32),
            combR_fb.astype(jnp.float32),
            apL_fb.astype(jnp.float32),
            apR_fb.astype(jnp.float32),
            jnp.stack([wet1, wet2, dry]).astype(jnp.float32),
            jnp.zeros((5,), jnp.float32),
        ]
    )
    fbs = jnp.repeat(fbs, _B)
    y_l, y_r = _fv_call(x.astype(jnp.float32), fbs)
    return jnp.stack([y_l, y_r], axis=1)

# --- scband reference (transcript-rebuilt; emitter-appended) ---
"""Pipeline reference for scband-nnfreeverb-module-28226525070336 (READ-ONLY COPY).

The authoritative reference and input builder live on the scoring server;
editing this copy changes nothing except your own understanding.
"""

import jax, jax.numpy as jnp
import numpy as np

COMBL_D = [2205, 2469, 2690, 2998, 3175, 3439, 3627, 4001]
COMBR_D = [2277, 2709, 2924, 3175, 3351, 3487, 3660, 4117]
APL_D = [556, 441, 341, 225]
APR_D = [579, 464, 396, 289]


def setup_inputs(seed: int = 0) -> dict:
    key = jax.random.key(seed)
    x = jax.random.normal(key, (2048,), dtype=jnp.float32)
    combL_fb = jnp.array([0.805, 0.827, 0.783, 0.764, 0.742, 0.733, 0.715, 0.697], dtype=jnp.float32)
    combR_fb = jnp.array([0.805, 0.827, 0.783, 0.764, 0.742, 0.733, 0.715, 0.697], dtype=jnp.float32)
    apL_fb = jnp.full((4,), 0.5, dtype=jnp.float32)
    apR_fb = jnp.full((4,), 0.5, dtype=jnp.float32)
    # wet=1.0, width=0.0 -> wet1 = wet*(width+1)*0.5 = 0.5 ; wet2 = wet*(1-width)*0.5 = 0.5 ; dry = 0.0
    wet1 = jnp.array(0.5, dtype=jnp.float32)
    wet2 = jnp.array(0.5, dtype=jnp.float32)
    dry = jnp.array(0.0, dtype=jnp.float32)
    return {"x": x, "combL_fb": combL_fb, "combR_fb": combR_fb, "apL_fb": apL_fb, "apR_fb": apR_fb, "wet1": wet1, "wet2": wet2, "dry": dry}


def _freeverb(x, combL_fb, combR_fb, apL_fb, apR_fb, wet1, wet2, dry):
    cbL0 = tuple(jnp.zeros((d,), jnp.float32) for d in COMBL_D)
    cbR0 = tuple(jnp.zeros((d,), jnp.float32) for d in COMBR_D)
    abL0 = tuple(jnp.zeros((d,), jnp.float32) for d in APL_D)
    abR0 = tuple(jnp.zeros((d,), jnp.float32) for d in APR_D)
    ciL0 = tuple(jnp.array(0, jnp.int32) for _ in COMBL_D)
    ciR0 = tuple(jnp.array(0, jnp.int32) for _ in COMBR_D)
    aiL0 = tuple(jnp.array(0, jnp.int32) for _ in APL_D)
    aiR0 = tuple(jnp.array(0, jnp.int32) for _ in APR_D)

    def comb_bank(inp, bufs, idxs, fbs, delays):
        acc = jnp.float32(0.0)
        nbufs, nidxs = [], []
        for j in range(len(delays)):
            buf, idx = bufs[j], idxs[j]
            o = buf[idx]  # gather (output_sample)
            buf = buf.at[idx].set(inp + o * fbs[j])  # scatter-overwrite
            idx = (idx + 1) % delays[j]
            acc = acc + o
            nbufs.append(buf); nidxs.append(idx)
        return acc, tuple(nbufs), tuple(nidxs)

    def allpass_chain(s, bufs, idxs, fbs, delays):
        nbufs, nidxs = [], []
        for j in range(len(delays)):
            buf, idx = bufs[j], idxs[j]
            bo = buf[idx]
            out = -s + bo  # output_sample = -x + buffer_output (faithful to module)
            buf = buf.at[idx].set(s + bo * fbs[j])
            idx = (idx + 1) % delays[j]
            s = out
            nbufs.append(buf); nidxs.append(idx)
        return s, tuple(nbufs), tuple(nidxs)

    def step(carry, xt):
        cbL, cbR, abL, abR, ciL, ciR, aiL, aiR = carry
        inp = xt * 0.015
        outL, cbL, ciL = comb_bank(inp, cbL, ciL, combL_fb, COMBL_D)
        outR, cbR, ciR = comb_bank(inp, cbR, ciR, combR_fb, COMBR_D)
        outL, abL, aiL = allpass_chain(outL, abL, aiL, apL_fb, APL_D)
        outR, abR, aiR = allpass_chain(outR, abR, aiR, apR_fb, APR_D)
        yL = outL * wet1 + outR * wet2 + xt * dry
        yR = outR * wet1 + outL * wet2 + xt * dry
        return (cbL, cbR, abL, abR, ciL, ciR, aiL, aiR), jnp.stack([yL, yR])

    carry0 = (cbL0, cbR0, abL0, abR0, ciL0, ciR0, aiL0, aiR0)
    _, ys = jax.lax.scan(step, carry0, x)
    return ys  # [T, 2] stereo output


def reference(x, combL_fb, combR_fb, apL_fb, apR_fb, wet1, wet2, dry):
    return _freeverb(x, combL_fb, combR_fb, apL_fb, apR_fb, wet1, wet2, dry)

if __name__ == "__main__":
    import jax
    _d = setup_inputs()
    print(jax.jit(kernel)(*tuple(_d.values())))

</pallas_src>

<mosaic_0001>
#map = affine_map<(d0, d1) -> (0)>
module attributes {stable_mosaic.version = 14 : i64} {
  func.func @_fv_body(%arg0: i32, %arg1: i32, %arg2: memref<2048xf32, #tpu.memory_space<hbm>>, %arg3: memref<512xf32, #tpu.memory_space<hbm>>, %arg4: memref<2048xf32, #tpu.memory_space<hbm>>, %arg5: memref<2048xf32, #tpu.memory_space<hbm>>, %arg6: memref<2048xf32, #tpu.memory_space<vmem>>, %arg7: memref<512xf32, #tpu.memory_space<vmem>>, %arg8: memref<2048xf32, #tpu.memory_space<vmem>>, %arg9: memref<2048xf32, #tpu.memory_space<vmem>>, %arg10: memref<4256xf32, #tpu.memory_space<vmem>>, %arg11: memref<4528xf32, #tpu.memory_space<vmem>>, %arg12: memref<4752xf32, #tpu.memory_space<vmem>>, %arg13: memref<5056xf32, #tpu.memory_space<vmem>>, %arg14: memref<5232xf32, #tpu.memory_space<vmem>>, %arg15: memref<5488xf32, #tpu.memory_space<vmem>>, %arg16: memref<5680xf32, #tpu.memory_space<vmem>>, %arg17: memref<6064xf32, #tpu.memory_space<vmem>>, %arg18: memref<4336xf32, #tpu.memory_space<vmem>>, %arg19: memref<4768xf32, #tpu.memory_space<vmem>>, %arg20: memref<4976xf32, #tpu.memory_space<vmem>>, %arg21: memref<5232xf32, #tpu.memory_space<vmem>>, %arg22: memref<5408xf32, #tpu.memory_space<vmem>>, %arg23: memref<5536xf32, #tpu.memory_space<vmem>>, %arg24: memref<5712xf32, #tpu.memory_space<vmem>>, %arg25: memref<6176xf32, #tpu.memory_space<vmem>>, %arg26: memref<2608xf32, #tpu.memory_space<vmem>>, %arg27: memref<2496xf32, #tpu.memory_space<vmem>>, %arg28: memref<2400xf32, #tpu.memory_space<vmem>>, %arg29: memref<2288xf32, #tpu.memory_space<vmem>>, %arg30: memref<2640xf32, #tpu.memory_space<vmem>>, %arg31: memref<2512xf32, #tpu.memory_space<vmem>>, %arg32: memref<2448xf32, #tpu.memory_space<vmem>>, %arg33: memref<2352xf32, #tpu.memory_space<vmem>>) attributes {dimension_semantics = [#tpu.dimension_semantics<core_parallel>, #tpu.dimension_semantics<subcore_parallel>], iteration_bounds = array<i64: 2, 16>, scalar_prefetch = 0 : i64, scratch_operands = 28 : i64, tpu.core_type = #tpu.core_type<sc_vector_subcore>, window_params = [{transform_indices = #map}, {transform_indices = #map}, {transform_indices = #map}, {transform_indices = #map}]} {
    %eq3A = arith.constant 0 : i32
    %eq3A_0 = arith.cmpi eq, %arg0, %eq3A : i32
    %eq3A_1 = arith.constant 0 : i32
    %eq3A_2 = arith.cmpi eq, %arg1, %eq3A_1 : i32
    %and3A = arith.andi %eq3A_0, %eq3A_2 : i1
    %convert_element_type3A = arith.extui %and3A : i1 to i32
    %cond3A = arith.constant 0 : i32
    %cond3A_3 = arith.cmpi ne, %convert_element_type3A, %cond3A : i32
    scf.if %cond3A_3 {
      "tpu.region"() ({
        %run_scoped3A = tpu.sem_alloc : memref<!tpu.dma_semaphore, #tpu.memory_space<semaphore_mem>>
        tpu.enqueue_dma source(%arg2 : memref<2048xf32, #tpu.memory_space<hbm>>) target(%arg6 : memref<2048xf32, #tpu.memory_space<vmem>>) target_semaphore(%run_scoped3A : memref<!tpu.dma_semaphore, #tpu.memory_space<semaphore_mem>>)
        tpu.wait_dma2 semaphore(%run_scoped3A : memref<!tpu.dma_semaphore, #tpu.memory_space<semaphore_mem>>) src(%arg2 : memref<2048xf32, #tpu.memory_space<hbm>>) dst(%arg6 : memref<2048xf32, #tpu.memory_space<vmem>>)
        tpu.yield
      }) : () -> ()
      "tpu.region"() ({
        %run_scoped3A = tpu.sem_alloc : memref<!tpu.dma_semaphore, #tpu.memory_space<semaphore_mem>>
        tpu.enqueue_dma source(%arg3 : memref<512xf32, #tpu.memory_space<hbm>>) target(%arg7 : memref<512xf32, #tpu.memory_space<vmem>>) target_semaphore(%run_scoped3A : memref<!tpu.dma_semaphore, #tpu.memory_space<semaphore_mem>>)
        tpu.wait_dma2 semaphore(%run_scoped3A : memref<!tpu.dma_semaphore, #tpu.memory_space<semaphore_mem>>) src(%arg3 : memref<512xf32, #tpu.memory_space<hbm>>) dst(%arg7 : memref<512xf32, #tpu.memory_space<vmem>>)
        tpu.yield
      }) : () -> ()
      %broadcast_in_dim3A = arith.constant 0.000000e+00 : f32
      %broadcast_in_dim3A_4 = vector.broadcast %broadcast_in_dim3A : f32 to vector<16xf32>
      %scan3A = arith.constant 0 : i32
      %scan3A_5 = arith.constant 0 : i32
      %scan3A_6 = arith.constant 128 : i32
      %scan3A_7 = arith.addi %scan3A_5, %scan3A_6 : i32
      %scan3A_8 = arith.constant 1 : i32
      scf.for %scan3A_75 = %scan3A_5 to %scan3A_7 step %scan3A_8  : i32 {
        %mul3A = arith.constant 16 : i32
        %mul3A_76 = arith.muli %scan3A_75, %mul3A : i32
        %swap3A = arith.index_cast %mul3A_76 : i32 to index
        %swap3A_77 = tpu.vector_load %arg10[%swap3A] {strides = array<i32>} : memref<4256xf32, #tpu.memory_space<vmem>>, vector<16xf32>,
        tpu.vector_store %arg10[%swap3A], %broadcast_in_dim3A_4 {strides = array<i32>} : memref<4256xf32, #tpu.memory_space<vmem>>, vector<16xf32>,
        %swap3A_78 = arith.index_cast %mul3A_76 : i32 to index
        %swap3A_79 = tpu.vector_load %arg11[%swap3A_78] {strides = array<i32>} : memref<4528xf32, #tpu.memory_space<vmem>>, vector<16xf32>,
        tpu.vector_store %arg11[%swap3A_78], %broadcast_in_dim3A_4 {strides = array<i32>} : memref<4528xf32, #tpu.memory_space<vmem>>, vector<16xf32>,
        %swap3A_80 = arith.index_cast %mul3A_76 : i32 to index
        %swap3A_81 = tpu.vector_load %arg12[%swap3A_80] {strides = array<i32>} : memref<4752xf32, #tpu.memory_space<vmem>>, vector<16xf32>,
        tpu.vector_store %arg12[%swap3A_80], %broadcast_in_dim3A_4 {strides = array<i32>} : memref<4752xf32, #tpu.memory_space<vmem>>, vector<16xf32>,
        %swap3A_82 = arith.index_cast %mul3A_76 : i32 to index
        %swap3A_83 = tpu.vector_load %arg13[%swap3A_82] {strides = array<i32>} : memref<5056xf32, #tpu.memory_space<vmem>>, vector<16xf32>,
        tpu.vector_store %arg13[%swap3A_82], %broadcast_in_dim3A_4 {strides = array<i32>} : memref<5056xf32, #tpu.memory_space<vmem>>, vector<16xf32>,
        %swap3A_84 = arith.index_cast %mul3A_76 : i32 to index
        %swap3A_85 = tpu.vector_load %arg14[%swap3A_84] {strides = array<i32>} : memref<5232xf32, #tpu.memory_space<vmem>>, vector<16xf32>,
        tpu.vector_store %arg14[%swap3A_84], %broadcast_in_dim3A_4 {strides = array<i32>} : memref<5232xf32, #tpu.memory_space<vmem>>, vector<16xf32>,
        %swap3A_86 = arith.index_cast %mul3A_76 : i32 to index
        %swap3A_87 = tpu.vector_load %arg15[%swap3A_86] {strides = array<i32>} : memref<5488xf32, #tpu.memory_space<vmem>>, vector<16xf32>,
        tpu.vector_store %arg15[%swap3A_86], %broadcast_in_dim3A_4 {strides = array<i32>} : memref<5488xf32, #tpu.memory_space<vmem>>, vector<16xf32>,
        %swap3A_88 = arith.index_cast %mul3A_76 : i32 to index
        %swap3A_89 = tpu.vector_load %arg16[%swap3A_88] {strides = array<i32>} : memref<5680xf32, #tpu.memory_space<vmem>>, vector<16xf32>,
        tpu.vector_store %arg16[%swap3A_88], %broadcast_in_dim3A_4 {strides = array<i32>} : memref<5680xf32, #tpu.memory_space<vmem>>, vector<16xf32>,
        %swap3A_90 = arith.index_cast %mul3A_76 : i32 to index
        %swap3A_91 = tpu.vector_load %arg17[%swap3A_90] {strides = array<i32>} : memref<6064xf32, #tpu.memory_space<vmem>>, vector<16xf32>,
        tpu.vector_store %arg17[%swap3A_90], %broadcast_in_dim3A_4 {strides = array<i32>} : memref<6064xf32, #tpu.memory_space<vmem>>, vector<16xf32>,
        %swap3A_92 = arith.index_cast %mul3A_76 : i32 to index
        %swap3A_93 = tpu.vector_load %arg18[%swap3A_92] {strides = array<i32>} : memref<4336xf32, #tpu.memory_space<vmem>>, vector<16xf32>,
        tpu.vector_store %arg18[%swap3A_92], %broadcast_in_dim3A_4 {strides = array<i32>} : memref<4336xf32, #tpu.memory_space<vmem>>, vector<16xf32>,
        %swap3A_94 = arith.index_cast %mul3A_76 : i32 to index
        %swap3A_95 = tpu.vector_load %arg19[%swap3A_94] {strides = array<i32>} : memref<4768xf32, #tpu.memory_space<vmem>>, vector<16xf32>,
        tpu.vector_store %arg19[%swap3A_94], %broadcast_in_dim3A_4 {strides = array<i32>} : memref<4768xf32, #tpu.memory_space<vmem>>, vector<16xf32>,
        %swap3A_96 = arith.index_cast %mul3A_76 : i32 to index
        %swap3A_97 = tpu.vector_load %arg20[%swap3A_96] {strides = array<i32>} : memref<4976xf32, #tpu.memory_space<vmem>>, vector<16xf32>,
        tpu.vector_store %arg20[%swap3A_96], %broadcast_in_dim3A_4 {strides = array<i32>} : memref<4976xf32, #tpu.memory_space<vmem>>, vector<16xf32>,
        %swap3A_98 = arith.index_cast %mul3A_76 : i32 to index
        %swap3A_99 = tpu.vector_load %arg21[%swap3A_98] {strides = array<i32>} : memref<5232xf32, #tpu.memory_space<vmem>>, vector<16xf32>,
        tpu.vector_store %arg21[%swap3A_98], %broadcast_in_dim3A_4 {strides = array<i32>} : memref<5232xf32, #tpu.memory_space<vmem>>, vector<16xf32>,
        %swap3A_100 = arith.index_cast %mul3A_76 : i32 to index
        %swap3A_101 = tpu.vector_load %arg22[%swap3A_100] {strides = array<i32>} : memref<5408xf32, #tpu.memory_space<vmem>>, vector<16xf32>,
        tpu.vector_store %arg22[%swap3A_100], %broadcast_in_dim3A_4 {strides = array<i32>} : memref<5408xf32, #tpu.memory_space<vmem>>, vector<16xf32>,
        %swap3A_102 = arith.index_cast %mul3A_76 : i32 to index
        %swap3A_103 = tpu.vector_load %arg23[%swap3A_102] {strides = array<i32>} : memref<5536xf32, #tpu.memory_space<vmem>>, vector<16xf32>,
        tpu.vector_store %arg23[%swap3A_102], %broadcast_in_dim3A_4 {strides = array<i32>} : memref<5536xf32, #tpu.memory_space<vmem>>, vector<16xf32>,
        %swap3A_104 = arith.index_cast %mul3A_76 : i32 to index
        %swap3A_105 = tpu.vector_load %arg24[%swap3A_104] {strides = array<i32>} : memref<5712xf32, #tpu.memory_space<vmem>>, vector<16xf32>,
        tpu.vector_store %arg24[%swap3A_104], %broadcast_in_dim3A_4 {strides = array<i32>} : memref<5712xf32, #tpu.memory_space<vmem>>, vector<16xf32>,
        %swap3A_106 = arith.index_cast %mul3A_76 : i32 to index
        %swap3A_107 = tpu.vector_load %arg25[%swap3A_106] {strides = array<i32>} : memref<6176xf32, #tpu.memory_space<vmem>>, vector<16xf32>,
        tpu.vector_store %arg25[%swap3A_106], %broadcast_in_dim3A_4 {strides = array<i32>} : memref<6176xf32, #tpu.memory_space<vmem>>, vector<16xf32>,
      }
      %scan3A_9 = arith.constant 128 : i32
      %scan3A_10 = arith.constant 0 : i32
      %scan3A_11 = arith.constant 0 : i32
      %scan3A_12 = arith.constant 37 : i32
      %scan3A_13 = arith.addi %scan3A_11, %scan3A_12 : i32
      %scan3A_14 = arith.constant 1 : i32
      scf.for %scan3A_75 = %scan3A_11 to %scan3A_13 step %scan3A_14  : i32 {
        %mul3A = arith.constant 16 : i32
        %mul3A_76 = arith.muli %scan3A_75, %mul3A : i32
        %swap3A = arith.index_cast %mul3A_76 : i32 to index
        %swap3A_77 = tpu.vector_load %arg26[%swap3A] {strides = array<i32>} : memref<2608xf32, #tpu.memory_space<vmem>>, vector<16xf32>,
        tpu.vector_store %arg26[%swap3A], %broadcast_in_dim3A_4 {strides = array<i32>} : memref<2608xf32, #tpu.memory_space<vmem>>, vector<16xf32>,
        %swap3A_78 = arith.index_cast %mul3A_76 : i32 to index
        %swap3A_79 = tpu.vector_load %arg27[%swap3A_78] {strides = array<i32>} : memref<2496xf32, #tpu.memory_space<vmem>>, vector<16xf32>,
        tpu.vector_store %arg27[%swap3A_78], %broadcast_in_dim3A_4 {strides = array<i32>} : memref<2496xf32, #tpu.memory_space<vmem>>, vector<16xf32>,
        %swap3A_80 = arith.index_cast %mul3A_76 : i32 to index
        %swap3A_81 = tpu.vector_load %arg28[%swap3A_80] {strides = array<i32>} : memref<2400xf32, #tpu.memory_space<vmem>>, vector<16xf32>,
        tpu.vector_store %arg28[%swap3A_80], %broadcast_in_dim3A_4 {strides = array<i32>} : memref<2400xf32, #tpu.memory_space<vmem>>, vector<16xf32>,
        %swap3A_82 = arith.index_cast %mul3A_76 : i32 to index
        %swap3A_83 = tpu.vector_load %arg29[%swap3A_82] {strides = array<i32>} : memref<2288xf32, #tpu.memory_space<vmem>>, vector<16xf32>,
        tpu.vector_store %arg29[%swap3A_82], %broadcast_in_dim3A_4 {strides = array<i32>} : memref<2288xf32, #tpu.memory_space<vmem>>, vector<16xf32>,
        %swap3A_84 = arith.index_cast %mul3A_76 : i32 to index
        %swap3A_85 = tpu.vector_load %arg30[%swap3A_84] {strides = array<i32>} : memref<2640xf32, #tpu.memory_space<vmem>>, vector<16xf32>,
        tpu.vector_store %arg30[%swap3A_84], %broadcast_in_dim3A_4 {strides = array<i32>} : memref<2640xf32, #tpu.memory_space<vmem>>, vector<16xf32>,
        %swap3A_86 = arith.index_cast %mul3A_76 : i32 to index
        %swap3A_87 = tpu.vector_load %arg31[%swap3A_86] {strides = array<i32>} : memref<2512xf32, #tpu.memory_space<vmem>>, vector<16xf32>,
        tpu.vector_store %arg31[%swap3A_86], %broadcast_in_dim3A_4 {strides = array<i32>} : memref<2512xf32, #tpu.memory_space<vmem>>, vector<16xf32>,
        %swap3A_88 = arith.index_cast %mul3A_76 : i32 to index
        %swap3A_89 = tpu.vector_load %arg32[%swap3A_88] {strides = array<i32>} : memref<2448xf32, #tpu.memory_space<vmem>>, vector<16xf32>,
        tpu.vector_store %arg32[%swap3A_88], %broadcast_in_dim3A_4 {strides = array<i32>} : memref<2448xf32, #tpu.memory_space<vmem>>, vector<16xf32>,
        %swap3A_90 = arith.index_cast %mul3A_76 : i32 to index
        %swap3A_91 = tpu.vector_load %arg33[%swap3A_90] {strides = array<i32>} : memref<2352xf32, #tpu.memory_space<vmem>>, vector<16xf32>,
        tpu.vector_store %arg33[%swap3A_90], %broadcast_in_dim3A_4 {strides = array<i32>} : memref<2352xf32, #tpu.memory_space<vmem>>, vector<16xf32>,
      }
      %scan3A_15 = arith.constant 37 : i32
      %get3A = arith.constant 0 : index
      %get3A_16 = tpu.vector_load %arg7[%get3A] {strides = array<i32>} : memref<512xf32, #tpu.memory_space<vmem>>, vector<16xf32>,
      %get3A_17 = arith.constant 16 : index
      %get3A_18 = tpu.vector_load %arg7[%get3A_17] {strides = array<i32>} : memref<512xf32, #tpu.memory_space<vmem>>, vector<16xf32>,
      %get3A_19 = arith.constant 32 : index
      %get3A_20 = tpu.vector_load %arg7[%get3A_19] {strides = array<i32>} : memref<512xf32, #tpu.memory_space<vmem>>, vector<16xf32>,
      %get3A_21 = arith.constant 48 : index
      %get3A_22 = tpu.vector_load %arg7[%get3A_21] {strides = array<i32>} : memref<512xf32, #tpu.memory_space<vmem>>, vector<16xf32>,
      %get3A_23 = arith.constant 64 : index
      %get3A_24 = tpu.vector_load %arg7[%get3A_23] {strides = array<i32>} : memref<512xf32, #tpu.memory_space<vmem>>, vector<16xf32>,
      %get3A_25 = arith.constant 80 : index
      %get3A_26 = tpu.vector_load %arg7[%get3A_25] {strides = array<i32>} : memref<512xf32, #tpu.memory_space<vmem>>, vector<16xf32>,
      %get3A_27 = arith.constant 96 : index
      %get3A_28 = tpu.vector_load %arg7[%get3A_27] {strides = array<i32>} : memref<512xf32, #tpu.memory_space<vmem>>, vector<16xf32>,
      %get3A_29 = arith.constant 112 : index
      %get3A_30 = tpu.vector_load %arg7[%get3A_29] {strides = array<i32>} : memref<512xf32, #tpu.memory_space<vmem>>, vector<16xf32>,
      %get3A_31 = arith.constant 128 : index
      %get3A_32 = tpu.vector_load %arg7[%get3A_31] {strides = array<i32>} : memref<512xf32, #tpu.memory_space<vmem>>, vector<16xf32>,
      %get3A_33 = arith.constant 144 : index
      %get3A_34 = tpu.vector_load %arg7[%get3A_33] {strides = array<i32>} : memref<512xf32, #tpu.memory_space<vmem>>, vector<16xf32>,
      %get3A_35 = arith.constant 160 : index
      %get3A_36 = tpu.vector_load %arg7[%get3A_35] {strides = array<i32>} : memref<512xf32, #tpu.memory_space<vmem>>, vector<16xf32>,
      %get3A_37 = arith.constant 176 : index
      %get3A_38 = tpu.vector_load %arg7[%get3A_37] {strides = array<i32>} : memref<512xf32, #tpu.memory_space<vmem>>, vector<16xf32>,
      %get3A_39 = arith.constant 192 : index
      %get3A_40 = tpu.vector_load %arg7[%get3A_39] {strides = array<i32>} : memref<512xf32, #tpu.memory_space<vmem>>, vector<16xf32>,
      %get3A_41 = arith.constant 208 : index
      %get3A_42 = tpu.vector_load %arg7[%get3A_41] {strides = array<i32>} : memref<512xf32, #tpu.memory_space<vmem>>, vector<16xf32>,
      %get3A_43 = arith.constant 224 : index
      %get3A_44 = tpu.vector_load %arg7[%get3A_43] {strides = array<i32>} : memref<512xf32, #tpu.memory_space<vmem>>, vector<16xf32>,
      %get3A_45 = arith.constant 240 : index
      %get3A_46 = tpu.vector_load %arg7[%get3A_45] {strides = array<i32>} : memref<512xf32, #tpu.memory_space<vmem>>, vector<16xf32>,
      %get3A_47 = arith.constant 256 : index
      %get3A_48 = tpu.vector_load %arg7[%get3A_47] {strides = array<i32>} : memref<512xf32, #tpu.memory_space<vmem>>, vector<16xf32>,
      %get3A_49 = arith.constant 272 : index
      %get3A_50 = tpu.vector_load %arg7[%get3A_49] {strides = array<i32>} : memref<512xf32, #tpu.memory_space<vmem>>, vector<16xf32>,
      %get3A_51 = arith.constant 288 : index
      %get3A_52 = tpu.vector_load %arg7[%get3A_51] {strides = array<i32>} : memref<512xf32, #tpu.memory_space<vmem>>, vector<16xf32>,
      %get3A_53 = arith.constant 304 : index
      %get3A_54 = tpu.vector_load %arg7[%get3A_53] {strides = array<i32>} : memref<512xf32, #tpu.memory_space<vmem>>, vector<16xf32>,
      %get3A_55 = arith.constant 320 : index
      %get3A_56 = tpu.vector_load %arg7[%get3A_55] {strides = array<i32>} : memref<512xf32, #tpu.memory_space<vmem>>, vector<16xf32>,
      %get3A_57 = arith.constant 336 : index
      %get3A_58 = tpu.vector_load %arg7[%get3A_57] {strides = array<i32>} : memref<512xf32, #tpu.memory_space<vmem>>, vector<16xf32>,
      %get3A_59 = arith.constant 352 : index
      %get3A_60 = tpu.vector_load %arg7[%get3A_59] {strides = array<i32>} : memref<512xf32, #tpu.memory_space<vmem>>, vector<16xf32>,
      %get3A_61 = arith.constant 368 : index
      %get3A_62 = tpu.vector_load %arg7[%get3A_61] {strides = array<i32>} : memref<512xf32, #tpu.memory_space<vmem>>, vector<16xf32>,
      %get3A_63 = arith.constant 384 : index
      %get3A_64 = tpu.vector_load %arg7[%get3A_63] {strides = array<i32>} : memref<512xf32, #tpu.memory_space<vmem>>, vector<16xf32>,
      %get3A_65 = arith.constant 400 : index
      %get3A_66 = tpu.vector_load %arg7[%get3A_65] {strides = array<i32>} : memref<512xf32, #tpu.memory_space<vmem>>, vector<16xf32>,
      %get3A_67 = arith.constant 416 : index
      %get3A_68 = tpu.vector_load %arg7[%get3A_67] {strides = array<i32>} : memref<512xf32, #tpu.memory_space<vmem>>, vector<16xf32>,
      %scan3A_69 = arith.constant 0 : i32
      %scan3A_70 = arith.constant 0 : i32
      %scan3A_71 = arith.constant 64 : i32
      %scan3A_72 = arith.addi %scan3A_70, %scan3A_71 : i32
      %scan3A_73 = arith.constant 1 : i32
      scf.for %scan3A_75 = %scan3A_70 to %scan3A_72 step %scan3A_73  : i32 {
        %mul3A = arith.constant 32 : i32
        %mul3A_76 = arith.muli %scan3A_75, %mul3A : i32
        %get3A_77 = arith.index_cast %mul3A_76 : i32 to index
        %get3A_78 = tpu.vector_load %arg6[%get3A_77] {strides = array<i32>} : memref<2048xf32, #tpu.memory_space<vmem>>, vector<16xf32>,
        %mul3A_79 = arith.constant 1.500000e-02 : f32
        %mul3A_80 = vector.broadcast %mul3A_79 : f32 to vector<16xf32>
        %mul3A_81 = arith.mulf %get3A_78, %mul3A_80 : vector<16xf32>
        %get3A_82 = arith.index_cast %mul3A_76 : i32 to index
        %get3A_83 = tpu.vector_load %arg10[%get3A_82] {strides = array<i32>} : memref<4256xf32, #tpu.memory_space<vmem>>, vector<16xf32>,
        %mul3A_84 = arith.mulf %get3A_83, %get3A_16 : vector<16xf32>
        %add3A = arith.addf %mul3A_81, %mul3A_84 : vector<16xf32>
        %add3A_85 = arith.constant 2205 : i32
        %add3A_86 = arith.addi %add3A_85, %mul3A_76 : i32
        %swap3A = arith.index_cast %add3A_86 : i32 to index
        %swap3A_87 = tpu.vector_load %arg10[%swap3A] {strides = array<i32>} : memref<4256xf32, #tpu.memory_space<vmem>>, vector<16xf32>,
        tpu.vector_store %arg10[%swap3A], %add3A {strides = array<i32>} : memref<4256xf32, #tpu.memory_space<vmem>>, vector<16xf32>,
        %add3A_88 = arith.addf %broadcast_in_dim3A_4, %get3A_83 : vector<16xf32>
        %get3A_89 = arith.index_cast %mul3A_76 : i32 to index
        %get3A_90 = tpu.vector_load %arg11[%get3A_89] {strides = array<i32>} : memref<4528xf32, #tpu.memory_space<vmem>>, vector<16xf32>,
        %mul3A_91 = arith.mulf %get3A_90, %get3A_18 : vector<16xf32>
        %add3A_92 = arith.addf %mul3A_81, %mul3A_91 : vector<16xf32>
        %add3A_93 = arith.constant 2469 : i32
        %add3A_94 = arith.addi %add3A_93, %mul3A_76 : i32
        %swap3A_95 = arith.index_cast %add3A_94 : i32 to index
        %swap3A_96 = tpu.vector_load %arg11[%swap3A_95] {strides = array<i32>} : memref<4528xf32, #tpu.memory_space<vmem>>, vector<16xf32>,
        tpu.vector_store %arg11[%swap3A_95], %add3A_92 {strides = array<i32>} : memref<4528xf32, #tpu.memory_space<vmem>>, vector<16xf32>,
        %add3A_97 = arith.addf %add3A_88, %get3A_90 : vector<16xf32>
        %get3A_98 = arith.index_cast %mul3A_76 : i32 to index
        %get3A_99 = tpu.vector_load %arg12[%get3A_98] {strides = array<i32>} : memref<4752xf32, #tpu.memory_space<vmem>>, vector<16xf32>,
        %mul3A_100 = arith.mulf %get3A_99, %get3A_20 : vector<16xf32>
        %add3A_101 = arith.addf %mul3A_81, %mul3A_100 : vector<16xf32>
        %add3A_102 = arith.constant 2690 : i32
        %add3A_103 = arith.addi %add3A_102, %mul3A_76 : i32
        %swap3A_104 = arith.index_cast %add3A_103 : i32 to index
        %swap3A_105 = tpu.vector_load %arg12[%swap3A_104] {strides = array<i32>} : memref<4752xf32, #tpu.memory_space<vmem>>, vector<16xf32>,
        tpu.vector_store %arg12[%swap3A_104], %add3A_101 {strides = array<i32>} : memref<4752xf32, #tpu.memory_space<vmem>>, vector<16xf32>,
        %add3A_106 = arith.addf %add3A_97, %get3A_99 : vector<16xf32>
        %get3A_107 = arith.index_cast %mul3A_76 : i32 to index
        %get3A_108 = tpu.vector_load %arg13[%get3A_107] {strides = array<i32>} : memref<5056xf32, #tpu.memory_space<vmem>>, vector<16xf32>,
        %mul3A_109 = arith.mulf %get3A_108, %get3A_22 : vector<16xf32>
        %add3A_110 = arith.addf %mul3A_81, %mul3A_109 : vector<16xf32>
        %add3A_111 = arith.constant 2998 : i32
        %add3A_112 = arith.addi %add3A_111, %mul3A_76 : i32
        %swap3A_113 = arith.index_cast %add3A_112 : i32 to index
        %swap3A_114 = tpu.vector_load %arg13[%swap3A_113] {strides = array<i32>} : memref<5056xf32, #tpu.memory_space<vmem>>, vector<16xf32>,
        tpu.vector_store %arg13[%swap3A_113], %add3A_110 {strides = array<i32>} : memref<5056xf32, #tpu.memory_space<vmem>>, vector<16xf32>,
        %add3A_115 = arith.addf %add3A_106, %get3A_108 : vector<16xf32>
        %get3A_116 = arith.index_cast %mul3A_76 : i32 to index
        %get3A_117 = tpu.vector_load %arg14[%get3A_116] {strides = array<i32>} : memref<5232xf32, #tpu.memory_space<vmem>>, vector<16xf32>,
        %mul3A_118 = arith.mulf %get3A_117, %get3A_24 : vector<16xf32>
        %add3A_119 = arith.addf %mul3A_81, %mul3A_118 : vector<16xf32>
        %add3A_120 = arith.constant 3175 : i32
        %add3A_121 = arith.addi %add3A_120, %mul3A_76 : i32
        %swap3A_122 = arith.index_cast %add3A_121 : i32 to index
        %swap3A_123 = tpu.vector_load %arg14[%swap3A_122] {strides = array<i32>} : memref<5232xf32, #tpu.memory_space<vmem>>, vector<16xf32>,
        tpu.vector_store %arg14[%swap3A_122], %add3A_119 {strides = array<i32>} : memref<5232xf32, #tpu.memory_space<vmem>>, vector<16xf32>,
        %add3A_124 = arith.addf %add3A_115, %get3A_117 : vector<16xf32>
        %get3A_125 = arith.index_cast %mul3A_76 : i32 to index
        %get3A_126 = tpu.vector_load %arg15[%get3A_125] {strides = array<i32>} : memref<5488xf32, #tpu.memory_space<vmem>>, vector<16xf32>,
        %mul3A_127 = arith.mulf %get3A_126, %get3A_26 : vector<16xf32>
        %add3A_128 = arith.addf %mul3A_81, %mul3A_127 : vector<16xf32>
        %add3A_129 = arith.constant 3439 : i32
        %add3A_130 = arith.addi %add3A_129, %mul3A_76 : i32
        %swap3A_131 = arith.index_cast %add3A_130 : i32 to index
        %swap3A_132 = tpu.vector_load %arg15[%swap3A_131] {strides = array<i32>} : memref<5488xf32, #tpu.memory_space<vmem>>, vector<16xf32>,
        tpu.vector_store %arg15[%swap3A_131], %add3A_128 {strides = array<i32>} : memref<5488xf32, #tpu.memory_space<vmem>>, vector<16xf32>,
        %add3A_133 = arith.addf %add3A_124, %get3A_126 : vector<16xf32>
        %get3A_134 = arith.index_cast %mul3A_76 : i32 to index
        %get3A_135 = tpu.vector_load %arg16[%get3A_134] {strides = array<i32>} : memref<5680xf32, #tpu.memory_space<vmem>>, vector<16xf32>,
        %mul3A_136 = arith.mulf %get3A_135, %get3A_28 : vector<16xf32>
        %add3A_137 = arith.addf %mul3A_81, %mul3A_136 : vector<16xf32>
        %add3A_138 = arith.constant 3627 : i32
        %add3A_139 = arith.addi %add3A_138, %mul3A_76 : i32
        %swap3A_140 = arith.index_cast %add3A_139 : i32 to index
        %swap3A_141 = tpu.vector_load %arg16[%swap3A_140] {strides = array<i32>} : memref<5680xf32, #tpu.memory_space<vmem>>, vector<16xf32>,
        tpu.vector_store %arg16[%swap3A_140], %add3A_137 {strides = array<i32>} : memref<5680xf32, #tpu.memory_space<vmem>>, vector<16xf32>,
        %add3A_142 = arith.addf %add3A_133, %get3A_135 : vector<16xf32>
        %get3A_143 = arith.index_cast %mul3A_76 : i32 to index
        %get3A_144 = tpu.vector_load %arg17[%get3A_143] {strides = array<i32>} : memref<6064xf32, #tpu.memory_space<vmem>>, vector<16xf32>,
        %mul3A_145 = arith.mulf %get3A_144, %get3A_30 : vector<16xf32>
        %add3A_146 = arith.addf %mul3A_81, %mul3A_145 : vector<16xf32>
        %add3A_147 = arith.constant 4001 : i32
        %add3A_148 = arith.addi %add3A_147, %mul3A_76 : i32
        %swap3A_149 = arith.index_cast %add3A_148 : i32 to index
        %swap3A_150 = tpu.vector_load %arg17[%swap3A_149] {strides = array<i32>} : memref<6064xf32, #tpu.memory_space<vmem>>, vector<16xf32>,
        tpu.vector_store %arg17[%swap3A_149], %add3A_146 {strides = array<i32>} : memref<6064xf32, #tpu.memory_space<vmem>>, vector<16xf32>,
        %add3A_151 = arith.addf %add3A_142, %get3A_144 : vector<16xf32>
        %get3A_152 = arith.index_cast %mul3A_76 : i32 to index
        %get3A_153 = tpu.vector_load %arg18[%get3A_152] {strides = array<i32>} : memref<4336xf32, #tpu.memory_space<vmem>>, vector<16xf32>,
        %mul3A_154 = arith.mulf %get3A_153, %get3A_32 : vector<16xf32>
        %add3A_155 = arith.addf %mul3A_81, %mul3A_154 : vector<16xf32>
        %add3A_156 = arith.constant 2277 : i32
        %add3A_157 = arith.addi %add3A_156, %mul3A_76 : i32
        %swap3A_158 = arith.index_cast %add3A_157 : i32 to index
        %swap3A_159 = tpu.vector_load %arg18[%swap3A_158] {strides = array<i32>} : memref<4336xf32, #tpu.memory_space<vmem>>, vector<16xf32>,
        tpu.vector_store %arg18[%swap3A_158], %add3A_155 {strides = array<i32>} : memref<4336xf32, #tpu.memory_space<vmem>>, vector<16xf32>,
        %add3A_160 = arith.addf %broadcast_in_dim3A_4, %get3A_153 : vector<16xf32>
        %get3A_161 = arith.index_cast %mul3A_76 : i32 to index
        %get3A_162 = tpu.vector_load %arg19[%get3A_161] {strides = array<i32>} : memref<4768xf32, #tpu.memory_space<vmem>>, vector<16xf32>,
        %mul3A_163 = arith.mulf %get3A_162, %get3A_34 : vector<16xf32>
        %add3A_164 = arith.addf %mul3A_81, %mul3A_163 : vector<16xf32>
        %add3A_165 = arith.constant 2709 : i32
        %add3A_166 = arith.addi %add3A_165, %mul3A_76 : i32
        %swap3A_167 = arith.index_cast %add3A_166 : i32 to index
        %swap3A_168 = tpu.vector_load %arg19[%swap3A_167] {strides = array<i32>} : memref<4768xf32, #tpu.memory_space<vmem>>, vector<16xf32>,
        tpu.vector_store %arg19[%swap3A_167], %add3A_164 {strides = array<i32>} : memref<4768xf32, #tpu.memory_space<vmem>>, vector<16xf32>,
        %add3A_169 = arith.addf %add3A_160, %get3A_162 : vector<16xf32>
        %get3A_170 = arith.index_cast %mul3A_76 : i32 to index
        %get3A_171 = tpu.vector_load %arg20[%get3A_170] {strides = array<i32>} : memref<4976xf32, #tpu.memory_space<vmem>>, vector<16xf32>,
        %mul3A_172 = arith.mulf %get3A_171, %get3A_36 : vector<16xf32>
        %add3A_173 = arith.addf %mul3A_81, %mul3A_172 : vector<16xf32>
        %add3A_174 = arith.constant 2924 : i32
        %add3A_175 = arith.addi %add3A_174, %mul3A_76 : i32
        %swap3A_176 = arith.index_cast %add3A_175 : i32 to index
        %swap3A_177 = tpu.vector_load %arg20[%swap3A_176] {strides = array<i32>} : memref<4976xf32, #tpu.memory_space<vmem>>, vector<16xf32>,
        tpu.vector_store %arg20[%swap3A_176], %add3A_173 {strides = array<i32>} : memref<4976xf32, #tpu.memory_space<vmem>>, vector<16xf32>,
        %add3A_178 = arith.addf %add3A_169, %get3A_171 : vector<16xf32>
        %get3A_179 = arith.index_cast %mul3A_76 : i32 to index
        %get3A_180 = tpu.vector_load %arg21[%get3A_179] {strides = array<i32>} : memref<5232xf32, #tpu.memory_space<vmem>>, vector<16xf32>,
        %mul3A_181 = arith.mulf %get3A_180, %get3A_38 : vector<16xf32>
        %add3A_182 = arith.addf %mul3A_81, %mul3A_181 : vector<16xf32>
        %add3A_183 = arith.constant 3175 : i32
        %add3A_184 = arith.addi %add3A_183, %mul3A_76 : i32
        %swap3A_185 = arith.index_cast %add3A_184 : i32 to index
        %swap3A_186 = tpu.vector_load %arg21[%swap3A_185] {strides = array<i32>} : memref<5232xf32, #tpu.memory_space<vmem>>, vector<16xf32>,
        tpu.vector_store %arg21[%swap3A_185], %add3A_182 {strides = array<i32>} : memref<5232xf32, #tpu.memory_space<vmem>>, vector<16xf32>,
        %add3A_187 = arith.addf %add3A_178, %get3A_180 : vector<16xf32>
        %get3A_188 = arith.index_cast %mul3A_76 : i32 to index
        %get3A_189 = tpu.vector_load %arg22[%get3A_188] {strides = array<i32>} : memref<5408xf32, #tpu.memory_space<vmem>>, vector<16xf32>,
        %mul3A_190 = arith.mulf %get3A_189, %get3A_40 : vector<16xf32>
        %add3A_191 = arith.addf %mul3A_81, %mul3A_190 : vector<16xf32>
        %add3A_192 = arith.constant 3351 : i32
        %add3A_193 = arith.addi %add3A_192, %mul3A_76 : i32
        %swap3A_194 = arith.index_cast %add3A_193 : i32 to index
        %swap3A_195 = tpu.vector_load %arg22[%swap3A_194] {strides = array<i32>} : memref<5408xf32, #tpu.memory_space<vmem>>, vector<16xf32>,
        tpu.vector_store %arg22[%swap3A_194], %add3A_191 {strides = array<i32>} : memref<5408xf32, #tpu.memory_space<vmem>>, vector<16xf32>,
        %add3A_196 = arith.addf %add3A_187, %get3A_189 : vector<16xf32>
        %get3A_197 = arith.index_cast %mul3A_76 : i32 to index
        %get3A_198 = tpu.vector_load %arg23[%get3A_197] {strides = array<i32>} : memref<5536xf32, #tpu.memory_space<vmem>>, vector<16xf32>,
        %mul3A_199 = arith.mulf %get3A_198, %get3A_42 : vector<16xf32>
        %add3A_200 = arith.addf %mul3A_81, %mul3A_199 : vector<16xf32>
        %add3A_201 = arith.constant 3487 : i32
        %add3A_202 = arith.addi %add3A_201, %mul3A_76 : i32
        %swap3A_203 = arith.index_cast %add3A_202 : i32 to index
        %swap3A_204 = tpu.vector_load %arg23[%swap3A_203] {strides = array<i32>} : memref<5536xf32, #tpu.memory_space<vmem>>, vector<16xf32>,
        tpu.vector_store %arg23[%swap3A_203], %add3A_200 {strides = array<i32>} : memref<5536xf32, #tpu.memory_space<vmem>>, vector<16xf32>,
        %add3A_205 = arith.addf %add3A_196, %get3A_198 : vector<16xf32>
        %get3A_206 = arith.index_cast %mul3A_76 : i32 to index
        %get3A_207 = tpu.vector_load %arg24[%get3A_206] {strides = array<i32>} : memref<5712xf32, #tpu.memory_space<vmem>>, vector<16xf32>,
        %mul3A_208 = arith.mulf %get3A_207, %get3A_44 : vector<16xf32>
        %add3A_209 = arith.addf %mul3A_81, %mul3A_208 : vector<16xf32>
        %add3A_210 = arith.constant 3660 : i32
        %add3A_211 = arith.addi %add3A_210, %mul3A_76 : i32
        %swap3A_212 = arith.index_cast %add3A_211 : i32 to index
        %swap3A_213 = tpu.vector_load %arg24[%swap3A_212] {strides = array<i32>} : memref<5712xf32, #tpu.memory_space<vmem>>, vector<16xf32>,
        tpu.vector_store %arg24[%swap3A_212], %add3A_209 {strides = array<i32>} : memref<5712xf32, #tpu.memory_space<vmem>>, vector<16xf32>,
        %add3A_214 = arith.addf %add3A_205, %get3A_207 : vector<16xf32>
        %get3A_215 = arith.index_cast %mul3A_76 : i32 to index
        %get3A_216 = tpu.vector_load %arg25[%get3A_215] {strides = array<i32>} : memref<6176xf32, #tpu.memory_space<vmem>>, vector<16xf32>,
        %mul3A_217 = arith.mulf %get3A_216, %get3A_46 : vector<16xf32>
        %add3A_218 = arith.addf %mul3A_81, %mul3A_217 : vector<16xf32>
        %add3A_219 = arith.constant 4117 : i32
        %add3A_220 = arith.addi %add3A_219, %mul3A_76 : i32
        %swap3A_221 = arith.index_cast %add3A_220 : i32 to index
        %swap3A_222 = tpu.vector_load %arg25[%swap3A_221] {strides = array<i32>} : memref<6176xf32, #tpu.memory_space<vmem>>, vector<16xf32>,
        tpu.vector_store %arg25[%swap3A_221], %add3A_218 {strides = array<i32>} : memref<6176xf32, #tpu.memory_space<vmem>>, vector<16xf32>,
        %add3A_223 = arith.addf %add3A_214, %get3A_216 : vector<16xf32>
        %get3A_224 = arith.index_cast %mul3A_76 : i32 to index
        %get3A_225 = tpu.vector_load %arg26[%get3A_224] {strides = array<i32>} : memref<2608xf32, #tpu.memory_space<vmem>>, vector<16xf32>,
        %mul3A_226 = arith.mulf %get3A_225, %get3A_48 : vector<16xf32>
        %add3A_227 = arith.addf %add3A_151, %mul3A_226 : vector<16xf32>
        %add3A_228 = arith.constant 556 : i32
        %add3A_229 = arith.addi %add3A_228, %mul3A_76 : i32
        %swap3A_230 = arith.index_cast %add3A_229 : i32 to index
        %swap3A_231 = tpu.vector_load %arg26[%swap3A_230] {strides = array<i32>} : memref<2608xf32, #tpu.memory_space<vmem>>, vector<16xf32>,
        tpu.vector_store %arg26[%swap3A_230], %add3A_227 {strides = array<i32>} : memref<2608xf32, #tpu.memory_space<vmem>>, vector<16xf32>,
        %sub3A = arith.subf %get3A_225, %add3A_151 : vector<16xf32>
        %get3A_232 = arith.index_cast %mul3A_76 : i32 to index
        %get3A_233 = tpu.vector_load %arg27[%get3A_232] {strides = array<i32>} : memref<2496xf32, #tpu.memory_space<vmem>>, vector<16xf32>,
        %mul3A_234 = arith.mulf %get3A_233, %get3A_50 : vector<16xf32>
        %add3A_235 = arith.addf %sub3A, %mul3A_234 : vector<16xf32>
        %add3A_236 = arith.constant 441 : i32
        %add3A_237 = arith.addi %add3A_236, %mul3A_76 : i32
        %swap3A_238 = arith.index_cast %add3A_237 : i32 to index
        %swap3A_239 = tpu.vector_load %arg27[%swap3A_238] {strides = array<i32>} : memref<2496xf32, #tpu.memory_space<vmem>>, vector<16xf32>,
        tpu.vector_store %arg27[%swap3A_238], %add3A_235 {strides = array<i32>} : memref<2496xf32, #tpu.memory_space<vmem>>, vector<16xf32>,
        %sub3A_240 = arith.subf %get3A_233, %sub3A : vector<16xf32>
        %get3A_241 = arith.index_cast %mul3A_76 : i32 to index
        %get3A_242 = tpu.vector_load %arg28[%get3A_241] {strides = array<i32>} : memref<2400xf32, #tpu.memory_space<vmem>>, vector<16xf32>,
        %mul3A_243 = arith.mulf %get3A_242, %get3A_52 : vector<16xf32>
        %add3A_244 = arith.addf %sub3A_240, %mul3A_243 : vector<16xf32>
        %add3A_245 = arith.constant 341 : i32
        %add3A_246 = arith.addi %add3A_245, %mul3A_76 : i32
        %swap3A_247 = arith.index_cast %add3A_246 : i32 to index
        %swap3A_248 = tpu.vector_load %arg28[%swap3A_247] {strides = array<i32>} : memref<2400xf32, #tpu.memory_space<vmem>>, vector<16xf32>,
        tpu.vector_store %arg28[%swap3A_247], %add3A_244 {strides = array<i32>} : memref<2400xf32, #tpu.memory_space<vmem>>, vector<16xf32>,
        %sub3A_249 = arith.subf %get3A_242, %sub3A_240 : vector<16xf32>
        %get3A_250 = arith.index_cast %mul3A_76 : i32 to index
        %get3A_251 = tpu.vector_load %arg29[%get3A_250] {strides = array<i32>} : memref<2288xf32, #tpu.memory_space<vmem>>, vector<16xf32>,
        %mul3A_252 = arith.mulf %get3A_251, %get3A_54 : vector<16xf32>
        %add3A_253 = arith.addf %sub3A_249, %mul3A_252 : vector<16xf32>
        %add3A_254 = arith.constant 225 : i32
        %add3A_255 = arith.addi %add3A_254, %mul3A_76 : i32
        %swap3A_256 = arith.index_cast %add3A_255 : i32 to index
        %swap3A_257 = tpu.vector_load %arg29[%swap3A_256] {strides = array<i32>} : memref<2288xf32, #tpu.memory_space<vmem>>, vector<16xf32>,
        tpu.vector_store %arg29[%swap3A_256], %add3A_253 {strides = array<i32>} : memref<2288xf32, #tpu.memory_space<vmem>>, vector<16xf32>,
        %sub3A_258 = arith.subf %get3A_251, %sub3A_249 : vector<16xf32>
        %get3A_259 = arith.index_cast %mul3A_76 : i32 to index
        %get3A_260 = tpu.vector_load %arg30[%get3A_259] {strides = array<i32>} : memref<2640xf32, #tpu.memory_space<vmem>>, vector<16xf32>,
        %mul3A_261 = arith.mulf %get3A_260, %get3A_56 : vector<16xf32>
        %add3A_262 = arith.addf %add3A_223, %mul3A_261 : vector<16xf32>
        %add3A_263 = arith.constant 579 : i32
        %add3A_264 = arith.addi %add3A_263, %mul3A_76 : i32
        %swap3A_265 = arith.index_cast %add3A_264 : i32 to index
        %swap3A_266 = tpu.vector_load %arg30[%swap3A_265] {strides = array<i32>} : memref<2640xf32, #tpu.memory_space<vmem>>, vector<16xf32>,
        tpu.vector_store %arg30[%swap3A_265], %add3A_262 {strides = array<i32>} : memref<2640xf32, #tpu.memory_space<vmem>>, vector<16xf32>,
        %sub3A_267 = arith.subf %get3A_260, %add3A_223 : vector<16xf32>
        %get3A_268 = arith.index_cast %mul3A_76 : i32 to index
        %get3A_269 = tpu.vector_load %arg31[%get3A_268] {strides = array<i32>} : memref<2512xf32, #tpu.memory_space<vmem>>, vector<16xf32>,
        %mul3A_270 = arith.mulf %get3A_269, %get3A_58 : vector<16xf32>
        %add3A_271 = arith.addf %sub3A_267, %mul3A_270 : vector<16xf32>
        %add3A_272 = arith.constant 464 : i32
        %add3A_273 = arith.addi %add3A_272, %mul3A_76 : i32
        %swap3A_274 = arith.index_cast %add3A_273 : i32 to index
        %swap3A_275 = tpu.vector_load %arg31[%swap3A_274] {strides = array<i32>} : memref<2512xf32, #tpu.memory_space<vmem>>, vector<16xf32>,
        tpu.vector_store %arg31[%swap3A_274], %add3A_271 {strides = array<i32>} : memref<2512xf32, #tpu.memory_space<vmem>>, vector<16xf32>,
        %sub3A_276 = arith.subf %get3A_269, %sub3A_267 : vector<16xf32>
        %get3A_277 = arith.index_cast %mul3A_76 : i32 to index
        %get3A_278 = tpu.vector_load %arg32[%get3A_277] {strides = array<i32>} : memref<2448xf32, #tpu.memory_space<vmem>>, vector<16xf32>,
        %mul3A_279 = arith.mulf %get3A_278, %get3A_60 : vector<16xf32>
        %add3A_280 = arith.addf %sub3A_276, %mul3A_279 : vector<16xf32>
        %add3A_281 = arith.constant 396 : i32
        %add3A_282 = arith.addi %add3A_281, %mul3A_76 : i32
        %swap3A_283 = arith.index_cast %add3A_282 : i32 to index
        %swap3A_284 = tpu.vector_load %arg32[%swap3A_283] {strides = array<i32>} : memref<2448xf32, #tpu.memory_space<vmem>>, vector<16xf32>,
        tpu.vector_store %arg32[%swap3A_283], %add3A_280 {strides = array<i32>} : memref<2448xf32, #tpu.memory_space<vmem>>, vector<16xf32>,
        %sub3A_285 = arith.subf %get3A_278, %sub3A_276 : vector<16xf32>
        %get3A_286 = arith.index_cast %mul3A_76 : i32 to index
        %get3A_287 = tpu.vector_load %arg33[%get3A_286] {strides = array<i32>} : memref<2352xf32, #tpu.memory_space<vmem>>, vector<16xf32>,
        %mul3A_288 = arith.mulf %get3A_287, %get3A_62 : vector<16xf32>
        %add3A_289 = arith.addf %sub3A_285, %mul3A_288 : vector<16xf32>
        %add3A_290 = arith.constant 289 : i32
        %add3A_291 = arith.addi %add3A_290, %mul3A_76 : i32
        %swap3A_292 = arith.index_cast %add3A_291 : i32 to index
        %swap3A_293 = tpu.vector_load %arg33[%swap3A_292] {strides = array<i32>} : memref<2352xf32, #tpu.memory_space<vmem>>, vector<16xf32>,
        tpu.vector_store %arg33[%swap3A_292], %add3A_289 {strides = array<i32>} : memref<2352xf32, #tpu.memory_space<vmem>>, vector<16xf32>,
        %sub3A_294 = arith.subf %get3A_287, %sub3A_285 : vector<16xf32>
        %mul3A_295 = arith.mulf %sub3A_258, %get3A_64 : vector<16xf32>
        %mul3A_296 = arith.mulf %sub3A_294, %get3A_66 : vector<16xf32>
        %add3A_297 = arith.addf %mul3A_295, %mul3A_296 : vector<16xf32>
        %mul3A_298 = arith.mulf %get3A_78, %get3A_68 : vector<16xf32>
        %add3A_299 = arith.addf %add3A_297, %mul3A_298 : vector<16xf32>
        %swap3A_300 = arith.index_cast %mul3A_76 : i32 to index
        %swap3A_301 = tpu.vector_load %arg8[%swap3A_300] {strides = array<i32>} : memref<2048xf32, #tpu.memory_space<vmem>>, vector<16xf32>,
        tpu.vector_store %arg8[%swap3A_300], %add3A_299 {strides = array<i32>} : memref<2048xf32, #tpu.memory_space<vmem>>, vector<16xf32>,
        %mul3A_302 = arith.mulf %sub3A_294, %get3A_64 : vector<16xf32>
        %mul3A_303 = arith.mulf %sub3A_258, %get3A_66 : vector<16xf32>
        %add3A_304 = arith.addf %mul3A_302, %mul3A_303 : vector<16xf32>
        %mul3A_305 = arith.mulf %get3A_78, %get3A_68 : vector<16xf32>
        %add3A_306 = arith.addf %add3A_304, %mul3A_305 : vector<16xf32>
        %swap3A_307 = arith.index_cast %mul3A_76 : i32 to index
        %swap3A_308 = tpu.vector_load %arg9[%swap3A_307] {strides = array<i32>} : memref<2048xf32, #tpu.memory_space<vmem>>, vector<16xf32>,
        tpu.vector_store %arg9[%swap3A_307], %add3A_306 {strides = array<i32>} : memref<2048xf32, #tpu.memory_space<vmem>>, vector<16xf32>,
        %mul3A_309 = arith.constant 32 : i32
        %mul3A_310 = arith.muli %scan3A_75, %mul3A_309 : i32
        %add3A_311 = arith.constant 16 : i32
        %add3A_312 = arith.addi %mul3A_310, %add3A_311 : i32
        %get3A_313 = arith.index_cast %add3A_312 : i32 to index
        %get3A_314 = tpu.vector_load %arg6[%get3A_313] {strides = array<i32>} : memref<2048xf32, #tpu.memory_space<vmem>>, vector<16xf32>,
        %mul3A_315 = arith.constant 1.500000e-02 : f32
        %mul3A_316 = vector.broadcast %mul3A_315 : f32 to vector<16xf32>
        %mul3A_317 = arith.mulf %get3A_314, %mul3A_316 : vector<16xf32>
        %get3A_318 = arith.index_cast %add3A_312 : i32 to index
        %get3A_319 = tpu.vector_load %arg10[%get3A_318] {strides = array<i32>} : memref<4256xf32, #tpu.memory_space<vmem>>, vector<16xf32>,
        %mul3A_320 = arith.mulf %get3A_319, %get3A_16 : vector<16xf32>
        %add3A_321 = arith.addf %mul3A_317, %mul3A_320 : vector<16xf32>
        %add3A_322 = arith.constant 2205 : i32
        %add3A_323 = arith.addi %add3A_322, %add3A_312 : i32
        %swap3A_324 = arith.index_cast %add3A_323 : i32 to index
        %swap3A_325 = tpu.vector_load %arg10[%swap3A_324] {strides = array<i32>} : memref<4256xf32, #tpu.memory_space<vmem>>, vector<16xf32>,
        tpu.vector_store %arg10[%swap3A_324], %add3A_321 {strides = array<i32>} : memref<4256xf32, #tpu.memory_space<vmem>>, vector<16xf32>,
        %add3A_326 = arith.addf %broadcast_in_dim3A_4, %get3A_319 : vector<16xf32>
        %get3A_327 = arith.index_cast %add3A_312 : i32 to index
        %get3A_328 = tpu.vector_load %arg11[%get3A_327] {strides = array<i32>} : memref<4528xf32, #tpu.memory_space<vmem>>, vector<16xf32>,
        %mul3A_329 = arith.mulf %get3A_328, %get3A_18 : vector<16xf32>
        %add3A_330 = arith.addf %mul3A_317, %mul3A_329 : vector<16xf32>
        %add3A_331 = arith.constant 2469 : i32
        %add3A_332 = arith.addi %add3A_331, %add3A_312 : i32
        %swap3A_333 = arith.index_cast %add3A_332 : i32 to index
        %swap3A_334 = tpu.vector_load %arg11[%swap3A_333] {strides = array<i32>} : memref<4528xf32, #tpu.memory_space<vmem>>, vector<16xf32>,
        tpu.vector_store %arg11[%swap3A_333], %add3A_330 {strides = array<i32>} : memref<4528xf32, #tpu.memory_space<vmem>>, vector<16xf32>,
        %add3A_335 = arith.addf %add3A_326, %get3A_328 : vector<16xf32>
        %get3A_336 = arith.index_cast %add3A_312 : i32 to index
        %get3A_337 = tpu.vector_load %arg12[%get3A_336] {strides = array<i32>} : memref<4752xf32, #tpu.memory_space<vmem>>, vector<16xf32>,
        %mul3A_338 = arith.mulf %get3A_337, %get3A_20 : vector<16xf32>
        %add3A_339 = arith.addf %mul3A_317, %mul3A_338 : vector<16xf32>
        %add3A_340 = arith.constant 2690 : i32
        %add3A_341 = arith.addi %add3A_340, %add3A_312 : i32
        %swap3A_342 = arith.index_cast %add3A_341 : i32 to index
        %swap3A_343 = tpu.vector_load %arg12[%swap3A_342] {strides = array<i32>} : memref<4752xf32, #tpu.memory_space<vmem>>, vector<16xf32>,
        tpu.vector_store %arg12[%swap3A_342], %add3A_339 {strides = array<i32>} : memref<4752xf32, #tpu.memory_space<vmem>>, vector<16xf32>,
        %add3A_344 = arith.addf %add3A_335, %get3A_337 : vector<16xf32>
        %get3A_345 = arith.index_cast %add3A_312 : i32 to index
        %get3A_346 = tpu.vector_load %arg13[%get3A_345] {strides = array<i32>} : memref<5056xf32, #tpu.memory_space<vmem>>, vector<16xf32>,
        %mul3A_347 = arith.mulf %get3A_346, %get3A_22 : vector<16xf32>
        %add3A_348 = arith.addf %mul3A_317, %mul3A_347 : vector<16xf32>
        %add3A_349 = arith.constant 2998 : i32
        %add3A_350 = arith.addi %add3A_349, %add3A_312 : i32
        %swap3A_351 = arith.index_cast %add3A_350 : i32 to index
        %swap3A_352 = tpu.vector_load %arg13[%swap3A_351] {strides = array<i32>} : memref<5056xf32, #tpu.memory_space<vmem>>, vector<16xf32>,
        tpu.vector_store %arg13[%swap3A_351], %add3A_348 {strides = array<i32>} : memref<5056xf32, #tpu.memory_space<vmem>>, vector<16xf32>,
        %add3A_353 = arith.addf %add3A_344, %get3A_346 : vector<16xf32>
        %get3A_354 = arith.index_cast %add3A_312 : i32 to index
        %get3A_355 = tpu.vector_load %arg14[%get3A_354] {strides = array<i32>} : memref<5232xf32, #tpu.memory_space<vmem>>, vector<16xf32>,
        %mul3A_356 = arith.mulf %get3A_355, %get3A_24 : vector<16xf32>
        %add3A_357 = arith.addf %mul3A_317, %mul3A_356 : vector<16xf32>
        %add3A_358 = arith.constant 3175 : i32
        %add3A_359 = arith.addi %add3A_358, %add3A_312 : i32
        %swap3A_360 = arith.index_cast %add3A_359 : i32 to index
        %swap3A_361 = tpu.vector_load %arg14[%swap3A_360] {strides = array<i32>} : memref<5232xf32, #tpu.memory_space<vmem>>, vector<16xf32>,
        tpu.vector_store %arg14[%swap3A_360], %add3A_357 {strides = array<i32>} : memref<5232xf32, #tpu.memory_space<vmem>>, vector<16xf32>,
        %add3A_362 = arith.addf %add3A_353, %get3A_355 : vector<16xf32>
        %get3A_363 = arith.index_cast %add3A_312 : i32 to index
        %get3A_364 = tpu.vector_load %arg15[%get3A_363] {strides = array<i32>} : memref<5488xf32, #tpu.memory_space<vmem>>, vector<16xf32>,
        %mul3A_365 = arith.mulf %get3A_364, %get3A_26 : vector<16xf32>
        %add3A_366 = arith.addf %mul3A_317, %mul3A_365 : vector<16xf32>
        %add3A_367 = arith.constant 3439 : i32
        %add3A_368 = arith.addi %add3A_367, %add3A_312 : i32
        %swap3A_369 = arith.index_cast %add3A_368 : i32 to index
        %swap3A_370 = tpu.vector_load %arg15[%swap3A_369] {strides = array<i32>} : memref<5488xf32, #tpu.memory_space<vmem>>, vector<16xf32>,
        tpu.vector_store %arg15[%swap3A_369], %add3A_366 {strides = array<i32>} : memref<5488xf32, #tpu.memory_space<vmem>>, vector<16xf32>,
        %add3A_371 = arith.addf %add3A_362, %get3A_364 : vector<16xf32>
        %get3A_372 = arith.index_cast %add3A_312 : i32 to index
        %get3A_373 = tpu.vector_load %arg16[%get3A_372] {strides = array<i32>} : memref<5680xf32, #tpu.memory_space<vmem>>, vector<16xf32>,
        %mul3A_374 = arith.mulf %get3A_373, %get3A_28 : vector<16xf32>
        %add3A_375 = arith.addf %mul3A_317, %mul3A_374 : vector<16xf32>
        %add3A_376 = arith.constant 3627 : i32
        %add3A_377 = arith.addi %add3A_376, %add3A_312 : i32
        %swap3A_378 = arith.index_cast %add3A_377 : i32 to index
        %swap3A_379 = tpu.vector_load %arg16[%swap3A_378] {strides = array<i32>} : memref<5680xf32, #tpu.memory_space<vmem>>, vector<16xf32>,
        tpu.vector_store %arg16[%swap3A_378], %add3A_375 {strides = array<i32>} : memref<5680xf32, #tpu.memory_space<vmem>>, vector<16xf32>,
        %add3A_380 = arith.addf %add3A_371, %get3A_373 : vector<16xf32>
        %get3A_381 = arith.index_cast %add3A_312 : i32 to index
        %get3A_382 = tpu.vector_load %arg17[%get3A_381] {strides = array<i32>} : memref<6064xf32, #tpu.memory_space<vmem>>, vector<16xf32>,
        %mul3A_383 = arith.mulf %get3A_382, %get3A_30 : vector<16xf32>
        %add3A_384 = arith.addf %mul3A_317, %mul3A_383 : vector<16xf32>
        %add3A_385 = arith.constant 4001 : i32
        %add3A_386 = arith.addi %add3A_385, %add3A_312 : i32
        %swap3A_387 = arith.index_cast %add3A_386 : i32 to index
        %swap3A_388 = tpu.vector_load %arg17[%swap3A_387] {strides = array<i32>} : memref<6064xf32, #tpu.memory_space<vmem>>, vector<16xf32>,
        tpu.vector_store %arg17[%swap3A_387], %add3A_384 {strides = array<i32>} : memref<6064xf32, #tpu.memory_space<vmem>>, vector<16xf32>,
        %add3A_389 = arith.addf %add3A_380, %get3A_382 : vector<16xf32>
        %get3A_390 = arith.index_cast %add3A_312 : i32 to index
        %get3A_391 = tpu.vector_load %arg18[%get3A_390] {strides = array<i32>} : memref<4336xf32, #tpu.memory_space<vmem>>, vector<16xf32>,
        %mul3A_392 = arith.mulf %get3A_391, %get3A_32 : vector<16xf32>
        %add3A_393 = arith.addf %mul3A_317, %mul3A_392 : vector<16xf32>
        %add3A_394 = arith.constant 2277 : i32
        %add3A_395 = arith.addi %add3A_394, %add3A_312 : i32
        %swap3A_396 = arith.index_cast %add3A_395 : i32 to index
        %swap3A_397 = tpu.vector_load %arg18[%swap3A_396] {strides = array<i32>} : memref<4336xf32, #tpu.memory_space<vmem>>, vector<16xf32>,
        tpu.vector_store %arg18[%swap3A_396], %add3A_393 {strides = array<i32>} : memref<4336xf32, #tpu.memory_space<vmem>>, vector<16xf32>,
        %add3A_398 = arith.addf %broadcast_in_dim3A_4, %get3A_391 : vector<16xf32>
        %get3A_399 = arith.index_cast %add3A_312 : i32 to index
        %get3A_400 = tpu.vector_load %arg19[%get3A_399] {strides = array<i32>} : memref<4768xf32, #tpu.memory_space<vmem>>, vector<16xf32>,
        %mul3A_401 = arith.mulf %get3A_400, %get3A_34 : vector<16xf32>
        %add3A_402 = arith.addf %mul3A_317, %mul3A_401 : vector<16xf32>
        %add3A_403 = arith.constant 2709 : i32
        %add3A_404 = arith.addi %add3A_403, %add3A_312 : i32
        %swap3A_405 = arith.index_cast %add3A_404 : i32 to index
        %swap3A_406 = tpu.vector_load %arg19[%swap3A_405] {strides = array<i32>} : memref<4768xf32, #tpu.memory_space<vmem>>, vector<16xf32>,
        tpu.vector_store %arg19[%swap3A_405], %add3A_402 {strides = array<i32>} : memref<4768xf32, #tpu.memory_space<vmem>>, vector<16xf32>,
        %add3A_407 = arith.addf %add3A_398, %get3A_400 : vector<16xf32>
        %get3A_408 = arith.index_cast %add3A_312 : i32 to index
        %get3A_409 = tpu.vector_load %arg20[%get3A_408] {strides = array<i32>} : memref<4976xf32, #tpu.memory_space<vmem>>, vector<16xf32>,
        %mul3A_410 = arith.mulf %get3A_409, %get3A_36 : vector<16xf32>
        %add3A_411 = arith.addf %mul3A_317, %mul3A_410 : vector<16xf32>
        %add3A_412 = arith.constant 2924 : i32
        %add3A_413 = arith.addi %add3A_412, %add3A_312 : i32
        %swap3A_414 = arith.index_cast %add3A_413 : i32 to index
        %swap3A_415 = tpu.vector_load %arg20[%swap3A_414] {strides = array<i32>} : memref<4976xf32, #tpu.memory_space<vmem>>, vector<16xf32>,
        tpu.vector_store %arg20[%swap3A_414], %add3A_411 {strides = array<i32>} : memref<4976xf32, #tpu.memory_space<vmem>>, vector<16xf32>,
        %add3A_416 = arith.addf %add3A_407, %get3A_409 : vector<16xf32>
        %get3A_417 = arith.index_cast %add3A_312 : i32 to index
        %get3A_418 = tpu.vector_load %arg21[%get3A_417] {strides = array<i32>} : memref<5232xf32, #tpu.memory_space<vmem>>, vector<16xf32>,
        %mul3A_419 = arith.mulf %get3A_418, %get3A_38 : vector<16xf32>
        %add3A_420 = arith.addf %mul3A_317, %mul3A_419 : vector<16xf32>
        %add3A_421 = arith.constant 3175 : i32
        %add3A_422 = arith.addi %add3A_421, %add3A_312 : i32
        %swap3A_423 = arith.index_cast %add3A_422 : i32 to index
        %swap3A_424 = tpu.vector_load %arg21[%swap3A_423] {strides = array<i32>} : memref<5232xf32, #tpu.memory_space<vmem>>, vector<16xf32>,
        tpu.vector_store %arg21[%swap3A_423], %add3A_420 {strides = array<i32>} : memref<5232xf32, #tpu.memory_space<vmem>>, vector<16xf32>,
        %add3A_425 = arith.addf %add3A_416, %get3A_418 : vector<16xf32>
        %get3A_426 = arith.index_cast %add3A_312 : i32 to index
        %get3A_427 = tpu.vector_load %arg22[%get3A_426] {strides = array<i32>} : memref<5408xf32, #tpu.memory_space<vmem>>, vector<16xf32>,
        %mul3A_428 = arith.mulf %get3A_427, %get3A_40 : vector<16xf32>
        %add3A_429 = arith.addf %mul3A_317, %mul3A_428 : vector<16xf32>
        %add3A_430 = arith.constant 3351 : i32
        %add3A_431 = arith.addi %add3A_430, %add3A_312 : i32
        %swap3A_432 = arith.index_cast %add3A_431 : i32 to index
        %swap3A_433 = tpu.vector_load %arg22[%swap3A_432] {strides = array<i32>} : memref<5408xf32, #tpu.memory_space<vmem>>, vector<16xf32>,
        tpu.vector_store %arg22[%swap3A_432], %add3A_429 {strides = array<i32>} : memref<5408xf32, #tpu.memory_space<vmem>>, vector<16xf32>,
        %add3A_434 = arith.addf %add3A_425, %get3A_427 : vector<16xf32>
        %get3A_435 = arith.index_cast %add3A_312 : i32 to index
        %get3A_436 = tpu.vector_load %arg23[%get3A_435] {strides = array<i32>} : memref<5536xf32, #tpu.memory_space<vmem>>, vector<16xf32>,
        %mul3A_437 = arith.mulf %get3A_436, %get3A_42 : vector<16xf32>
        %add3A_438 = arith.addf %mul3A_317, %mul3A_437 : vector<16xf32>
        %add3A_439 = arith.constant 3487 : i32
        %add3A_440 = arith.addi %add3A_439, %add3A_312 : i32
        %swap3A_441 = arith.index_cast %add3A_440 : i32 to index
        %swap3A_442 = tpu.vector_load %arg23[%swap3A_441] {strides = array<i32>} : memref<5536xf32, #tpu.memory_space<vmem>>, vector<16xf32>,
        tpu.vector_store %arg23[%swap3A_441], %add3A_438 {strides = array<i32>} : memref<5536xf32, #tpu.memory_space<vmem>>, vector<16xf32>,
        %add3A_443 = arith.addf %add3A_434, %get3A_436 : vector<16xf32>
        %get3A_444 = arith.index_cast %add3A_312 : i32 to index
        %get3A_445 = tpu.vector_load %arg24[%get3A_444] {strides = array<i32>} : memref<5712xf32, #tpu.memory_space<vmem>>, vector<16xf32>,
        %mul3A_446 = arith.mulf %get3A_445, %get3A_44 : vector<16xf32>
        %add3A_447 = arith.addf %mul3A_317, %mul3A_446 : vector<16xf32>
        %add3A_448 = arith.constant 3660 : i32
        %add3A_449 = arith.addi %add3A_448, %add3A_312 : i32
        %swap3A_450 = arith.index_cast %add3A_449 : i32 to index
        %swap3A_451 = tpu.vector_load %arg24[%swap3A_450] {strides = array<i32>} : memref<5712xf32, #tpu.memory_space<vmem>>, vector<16xf32>,
        tpu.vector_store %arg24[%swap3A_450], %add3A_447 {strides = array<i32>} : memref<5712xf32, #tpu.memory_space<vmem>>, vector<16xf32>,
        %add3A_452 = arith.addf %add3A_443, %get3A_445 : vector<16xf32>
        %get3A_453 = arith.index_cast %add3A_312 : i32 to index
        %get3A_454 = tpu.vector_load %arg25[%get3A_453] {strides = array<i32>} : memref<6176xf32, #tpu.memory_space<vmem>>, vector<16xf32>,
        %mul3A_455 = arith.mulf %get3A_454, %get3A_46 : vector<16xf32>
        %add3A_456 = arith.addf %mul3A_317, %mul3A_455 : vector<16xf32>
        %add3A_457 = arith.constant 4117 : i32
        %add3A_458 = arith.addi %add3A_457, %add3A_312 : i32
        %swap3A_459 = arith.index_cast %add3A_458 : i32 to index
        %swap3A_460 = tpu.vector_load %arg25[%swap3A_459] {strides = array<i32>} : memref<6176xf32, #tpu.memory_space<vmem>>, vector<16xf32>,
        tpu.vector_store %arg25[%swap3A_459], %add3A_456 {strides = array<i32>} : memref<6176xf32, #tpu.memory_space<vmem>>, vector<16xf32>,
        %add3A_461 = arith.addf %add3A_452, %get3A_454 : vector<16xf32>
        %get3A_462 = arith.index_cast %add3A_312 : i32 to index
        %get3A_463 = tpu.vector_load %arg26[%get3A_462] {strides = array<i32>} : memref<2608xf32, #tpu.memory_space<vmem>>, vector<16xf32>,
        %mul3A_464 = arith.mulf %get3A_463, %get3A_48 : vector<16xf32>
        %add3A_465 = arith.addf %add3A_389, %mul3A_464 : vector<16xf32>
        %add3A_466 = arith.constant 556 : i32
        %add3A_467 = arith.addi %add3A_466, %add3A_312 : i32
        %swap3A_468 = arith.index_cast %add3A_467 : i32 to index
        %swap3A_469 = tpu.vector_load %arg26[%swap3A_468] {strides = array<i32>} : memref<2608xf32, #tpu.memory_space<vmem>>, vector<16xf32>,
        tpu.vector_store %arg26[%swap3A_468], %add3A_465 {strides = array<i32>} : memref<2608xf32, #tpu.memory_space<vmem>>, vector<16xf32>,
        %sub3A_470 = arith.subf %get3A_463, %add3A_389 : vector<16xf32>
        %get3A_471 = arith.index_cast %add3A_312 : i32 to index
        %get3A_472 = tpu.vector_load %arg27[%get3A_471] {strides = array<i32>} : memref<2496xf32, #tpu.memory_space<vmem>>, vector<16xf32>,
        %mul3A_473 = arith.mulf %get3A_472, %get3A_50 : vector<16xf32>
        %add3A_474 = arith.addf %sub3A_470, %mul3A_473 : vector<16xf32>
        %add3A_475 = arith.constant 441 : i32
        %add3A_476 = arith.addi %add3A_475, %add3A_312 : i32
        %swap3A_477 = arith.index_cast %add3A_476 : i32 to index
        %swap3A_478 = tpu.vector_load %arg27[%swap3A_477] {strides = array<i32>} : memref<2496xf32, #tpu.memory_space<vmem>>, vector<16xf32>,
        tpu.vector_store %arg27[%swap3A_477], %add3A_474 {strides = array<i32>} : memref<2496xf32, #tpu.memory_space<vmem>>, vector<16xf32>,
        %sub3A_479 = arith.subf %get3A_472, %sub3A_470 : vector<16xf32>
        %get3A_480 = arith.index_cast %add3A_312 : i32 to index
        %get3A_481 = tpu.vector_load %arg28[%get3A_480] {strides = array<i32>} : memref<2400xf32, #tpu.memory_space<vmem>>, vector<16xf32>,
        %mul3A_482 = arith.mulf %get3A_481, %get3A_52 : vector<16xf32>
        %add3A_483 = arith.addf %sub3A_479, %mul3A_482 : vector<16xf32>
        %add3A_484 = arith.constant 341 : i32
        %add3A_485 = arith.addi %add3A_484, %add3A_312 : i32
        %swap3A_486 = arith.index_cast %add3A_485 : i32 to index
        %swap3A_487 = tpu.vector_load %arg28[%swap3A_486] {strides = array<i32>} : memref<2400xf32, #tpu.memory_space<vmem>>, vector<16xf32>,
        tpu.vector_store %arg28[%swap3A_486], %add3A_483 {strides = array<i32>} : memref<2400xf32, #tpu.memory_space<vmem>>, vector<16xf32>,
        %sub3A_488 = arith.subf %get3A_481, %sub3A_479 : vector<16xf32>
        %get3A_489 = arith.index_cast %add3A_312 : i32 to index
        %get3A_490 = tpu.vector_load %arg29[%get3A_489] {strides = array<i32>} : memref<2288xf32, #tpu.memory_space<vmem>>, vector<16xf32>,
        %mul3A_491 = arith.mulf %get3A_490, %get3A_54 : vector<16xf32>
        %add3A_492 = arith.addf %sub3A_488, %mul3A_491 : vector<16xf32>
        %add3A_493 = arith.constant 225 : i32
        %add3A_494 = arith.addi %add3A_493, %add3A_312 : i32
        %swap3A_495 = arith.index_cast %add3A_494 : i32 to index
        %swap3A_496 = tpu.vector_load %arg29[%swap3A_495] {strides = array<i32>} : memref<2288xf32, #tpu.memory_space<vmem>>, vector<16xf32>,
        tpu.vector_store %arg29[%swap3A_495], %add3A_492 {strides = array<i32>} : memref<2288xf32, #tpu.memory_space<vmem>>, vector<16xf32>,
        %sub3A_497 = arith.subf %get3A_490, %sub3A_488 : vector<16xf32>
        %get3A_498 = arith.index_cast %add3A_312 : i32 to index
        %get3A_499 = tpu.vector_load %arg30[%get3A_498] {strides = array<i32>} : memref<2640xf32, #tpu.memory_space<vmem>>, vector<16xf32>,
        %mul3A_500 = arith.mulf %get3A_499, %get3A_56 : vector<16xf32>
        %add3A_501 = arith.addf %add3A_461, %mul3A_500 : vector<16xf32>
        %add3A_502 = arith.constant 579 : i32
        %add3A_503 = arith.addi %add3A_502, %add3A_312 : i32
        %swap3A_504 = arith.index_cast %add3A_503 : i32 to index
        %swap3A_505 = tpu.vector_load %arg30[%swap3A_504] {strides = array<i32>} : memref<2640xf32, #tpu.memory_space<vmem>>, vector<16xf32>,
        tpu.vector_store %arg30[%swap3A_504], %add3A_501 {strides = array<i32>} : memref<2640xf32, #tpu.memory_space<vmem>>, vector<16xf32>,
        %sub3A_506 = arith.subf %get3A_499, %add3A_461 : vector<16xf32>
        %get3A_507 = arith.index_cast %add3A_312 : i32 to index
        %get3A_508 = tpu.vector_load %arg31[%get3A_507] {strides = array<i32>} : memref<2512xf32, #tpu.memory_space<vmem>>, vector<16xf32>,
        %mul3A_509 = arith.mulf %get3A_508, %get3A_58 : vector<16xf32>
        %add3A_510 = arith.addf %sub3A_506, %mul3A_509 : vector<16xf32>
        %add3A_511 = arith.constant 464 : i32
        %add3A_512 = arith.addi %add3A_511, %add3A_312 : i32
        %swap3A_513 = arith.index_cast %add3A_512 : i32 to index
        %swap3A_514 = tpu.vector_load %arg31[%swap3A_513] {strides = array<i32>} : memref<2512xf32, #tpu.memory_space<vmem>>, vector<16xf32>,
        tpu.vector_store %arg31[%swap3A_513], %add3A_510 {strides = array<i32>} : memref<2512xf32, #tpu.memory_space<vmem>>, vector<16xf32>,
        %sub3A_515 = arith.subf %get3A_508, %sub3A_506 : vector<16xf32>
        %get3A_516 = arith.index_cast %add3A_312 : i32 to index
        %get3A_517 = tpu.vector_load %arg32[%get3A_516] {strides = array<i32>} : memref<2448xf32, #tpu.memory_space<vmem>>, vector<16xf32>,
        %mul3A_518 = arith.mulf %get3A_517, %get3A_60 : vector<16xf32>
        %add3A_519 = arith.addf %sub3A_515, %mul3A_518 : vector<16xf32>
        %add3A_520 = arith.constant 396 : i32
        %add3A_521 = arith.addi %add3A_520, %add3A_312 : i32
        %swap3A_522 = arith.index_cast %add3A_521 : i32 to index
        %swap3A_523 = tpu.vector_load %arg32[%swap3A_522] {strides = array<i32>} : memref<2448xf32, #tpu.memory_space<vmem>>, vector<16xf32>,
        tpu.vector_store %arg32[%swap3A_522], %add3A_519 {strides = array<i32>} : memref<2448xf32, #tpu.memory_space<vmem>>, vector<16xf32>,
        %sub3A_524 = arith.subf %get3A_517, %sub3A_515 : vector<16xf32>
        %get3A_525 = arith.index_cast %add3A_312 : i32 to index
        %get3A_526 = tpu.vector_load %arg33[%get3A_525] {strides = array<i32>} : memref<2352xf32, #tpu.memory_space<vmem>>, vector<16xf32>,
        %mul3A_527 = arith.mulf %get3A_526, %get3A_62 : vector<16xf32>
        %add3A_528 = arith.addf %sub3A_524, %mul3A_527 : vector<16xf32>
        %add3A_529 = arith.constant 289 : i32
        %add3A_530 = arith.addi %add3A_529, %add3A_312 : i32
        %swap3A_531 = arith.index_cast %add3A_530 : i32 to index
        %swap3A_532 = tpu.vector_load %arg33[%swap3A_531] {strides = array<i32>} : memref<2352xf32, #tpu.memory_space<vmem>>, vector<16xf32>,
        tpu.vector_store %arg33[%swap3A_531], %add3A_528 {strides = array<i32>} : memref<2352xf32, #tpu.memory_space<vmem>>, vector<16xf32>,
        %sub3A_533 = arith.subf %get3A_526, %sub3A_524 : vector<16xf32>
        %mul3A_534 = arith.mulf %sub3A_497, %get3A_64 : vector<16xf32>
        %mul3A_535 = arith.mulf %sub3A_533, %get3A_66 : vector<16xf32>
        %add3A_536 = arith.addf %mul3A_534, %mul3A_535 : vector<16xf32>
        %mul3A_537 = arith.mulf %get3A_314, %get3A_68 : vector<16xf32>
        %add3A_538 = arith.addf %add3A_536, %mul3A_537 : vector<16xf32>
        %swap3A_539 = arith.index_cast %add3A_312 : i32 to index
        %swap3A_540 = tpu.vector_load %arg8[%swap3A_539] {strides = array<i32>} : memref<2048xf32, #tpu.memory_space<vmem>>, vector<16xf32>,
        tpu.vector_store %arg8[%swap3A_539], %add3A_538 {strides = array<i32>} : memref<2048xf32, #tpu.memory_space<vmem>>, vector<16xf32>,
        %mul3A_541 = arith.mulf %sub3A_533, %get3A_64 : vector<16xf32>
        %mul3A_542 = arith.mulf %sub3A_497, %get3A_66 : vector<16xf32>
        %add3A_543 = arith.addf %mul3A_541, %mul3A_542 : vector<16xf32>
        %mul3A_544 = arith.mulf %get3A_314, %get3A_68 : vector<16xf32>
        %add3A_545 = arith.addf %add3A_543, %mul3A_544 : vector<16xf32>
        %swap3A_546 = arith.index_cast %add3A_312 : i32 to index
        %swap3A_547 = tpu.vector_load %arg9[%swap3A_546] {strides = array<i32>} : memref<2048xf32, #tpu.memory_space<vmem>>, vector<16xf32>,
        tpu.vector_store %arg9[%swap3A_546], %add3A_545 {strides = array<i32>} : memref<2048xf32, #tpu.memory_space<vmem>>, vector<16xf32>,
      }
      %scan3A_74 = arith.constant 64 : i32
      "tpu.region"() ({
        %run_scoped3A = tpu.sem_alloc : memref<!tpu.dma_semaphore, #tpu.memory_space<semaphore_mem>>
        tpu.enqueue_dma source(%arg8 : memref<2048xf32, #tpu.memory_space<vmem>>) target(%arg4 : memref<2048xf32, #tpu.memory_space<hbm>>) target_semaphore(%run_scoped3A : memref<!tpu.dma_semaphore, #tpu.memory_space<semaphore_mem>>)
        tpu.wait_dma2 semaphore(%run_scoped3A : memref<!tpu.dma_semaphore, #tpu.memory_space<semaphore_mem>>) src(%arg8 : memref<2048xf32, #tpu.memory_space<vmem>>) dst(%arg4 : memref<2048xf32, #tpu.memory_space<hbm>>)
        tpu.yield
      }) : () -> ()
      "tpu.region"() ({
        %run_scoped3A = tpu.sem_alloc : memref<!tpu.dma_semaphore, #tpu.memory_space<semaphore_mem>>
        tpu.enqueue_dma source(%arg9 : memref<2048xf32, #tpu.memory_space<vmem>>) target(%arg5 : memref<2048xf32, #tpu.memory_space<hbm>>) target_semaphore(%run_scoped3A : memref<!tpu.dma_semaphore, #tpu.memory_space<semaphore_mem>>)
        tpu.wait_dma2 semaphore(%run_scoped3A : memref<!tpu.dma_semaphore, #tpu.memory_space<semaphore_mem>>) src(%arg9 : memref<2048xf32, #tpu.memory_space<vmem>>) dst(%arg5 : memref<2048xf32, #tpu.memory_space<hbm>>)
        tpu.yield
      }) : () -> ()
    } else {
    }
    return
  }
}

</mosaic_0001>

<sc_bundles>
// kernel: kernel.3.cloned.1.call-start
scs
__scs_entry_jumppad:
0x0: {  	(pc) =	sbr.rel $0x88, $3  }
0x1: {  	(tag) =	ssettag $0x0;
	lr =	simm.s32 $0x1  }
0x2: {  	[smem:$0x3F99] =	sst lr;
	_ =	strace $0xD0000000  }
0x3: {  	_ = 	snop  }
0x4: {  	_ = 	snop  }
0x5: {  	_ = 	snop  }
0x6: {  	_ = 	snop  }
0x7: {  	_ = 	snop  }
__scs_overlays_trampoline_lowered:
0x8: {  	[smem:$0x3FA8] =	sst s0  }
0x9: {  	[smem:$0x3FA9] =	sst s1  }
0xa: {  	[smem:$0x3FAA] =	sst s2  }
0xb: {  	[smem:$0x3FAB] =	sst s3  }
0xc: {  	[smem:$0x3FAC] =	sst s4  }
0xd: {  	[smem:$0x3FAD] =	sst s5  }
0xe: {  	[smem:$0x3FAE] =	sst s6  }
0xf: {  	[smem:$0x3FAF] =	sst s7  }
0x10: {  	[smem:$0x3FB0] =	sst s8  }
0x11: {  	[smem:$0x3FB1] =	sst s9;
	s0 =	simm.s32 @!p0 $0x0  }
0x12: {  	s1 =	sld [smem:$0x3F97];
	s0 =	simm.s32 @p0 $0x1  }
0x13: {  	[smem:$0x3FB2] =	sst s0;
	s0 =	simm.s32 @!p1 $0x0  }
0x14: {  	s2 =	sld [smem:$0x3F96];
	s0 =	simm.s32 @p1 $0x1  }
0x15: {  	[smem:$0x3FB3] =	sst s0;
	s0 =	simm.s32 @!p2 $0x0  }
0x16: {  	s3 =	sld [smem:$0x3FDB];
	s0 =	simm.s32 @p2 $0x1  }
0x17: {  	s4 =	simm.s32 $0x1BF5;
	[smem:$0x3FB5] =	sst s0  }
0x18: {  	s0 =	sld [smem:$0x3F98];
	_ =	swait.ge [sflag:s4], $0x0  }
0x19: {  	s7 =	sld [smem:$0x3F99]  }
0x1a: {  	s8 =	sadd.s32 $0xFFFFE003, lr  }
0x1b: {  	s9 =	sadd.s32 $0xFFFFFEF7, lr;
	s5 =	simm.s32 $0xFFFFFFFF;
	p2 =	slt.u32 s8, $0xFFFFF086  }
0x1c: {  	p1 =	slt.u32 s9, $0xF7A;
	s5 =	simm.s32 @!p2 $0x0  }
0x1d: {  	s5 =	simm.s32 @p1 $0x1;
	p0 =	seq.s32 s7, s2  }
0x1e: {  	s7 =	smul.u32 @!p0 $0xF7A, s2;
	p2 =	seq.s32 @!p0 s5, $0x0  }
0x1f: {  	s9 =	smul.u32 $0xF7A, s1;
	s8 =	simm.s32 @!p0 $0x1BF5;
	p2 =	por !p2, p0  }
0x20: {  	[sflag:s8] =	ssyncset.s32 @!p0 $0xFFFFF086;
	s6 =	sadd.s32 @!p0 s3, s7;
	s7 =	simm.s32 @!p0 $0x108  }
0x21: {  	s3 =	sadd.s32 s3, s9;
	s6 =	sadd.s32 @!p0 $0x88, s6;
	s7 =	simm.s32 @p2 $0x1082  }
0x22: {  	[simem:s7], [sflag:s8] =	dma.local @!p0 [hbm:s6], $0xF7A  }
0x23: {  	s9 =	sor.u32 $0xD0000000, s2;
	s6 =	simm.s32 $0x108;
	_ =	swait.ge @!p0 [sflag:s8], $0x0  }
0x24: {  	s3 =	sadd.s32 $0x88, s3;
	s6 =	simm.s32 @!p1 $0x1082;
	[sflag:s4] =	ssyncset.s32 $0xFFFFF086  }
0x25: {  	[simem:s6], [sflag:s4] =	dma.local [hbm:s3], $0xF7A  }
0x26: {  	[smem:$0x3F99] =	sst s1;
	(tag) =	ssettag s2;
	_ =	strace s9  }
0x27: {  	s1 =	sld [smem:$0x3FA9]  }
0x28: {  	s2 =	sld [smem:$0x3FAA]  }
0x29: {  	s4 =	sld [smem:$0x3FAC]  }
0x2a: {  	p0 =	seq.s32 s5, $0x0;
	s5 =	sld [smem:$0x3FAD]  }
0x2b: {  	s6 =	sld [smem:$0x3FAE]  }
0x2c: {  	s7 =	sld [smem:$0x3FAF]  }
0x2d: {  	s3 =	simm.s32 $0x108;
	s8 =	sld [smem:$0x3FB0]  }
0x2e: {  	s3 =	simm.s32 @!p0 $0x1082;
	s9 =	sld [smem:$0x3FB1]  }
0x2f: {  	lr =	sadd.s32 s0, s3;
	s0 =	sld [smem:$0x3FA8]  }
0x30: {  	s3 =	sld [smem:$0x3FAB]  }
0x31: {  	[smem:$0x3FB4] =	sst s10  }
0x32: {  	s10 =	sld [smem:$0x3FB2];
	_ =	sdelay $0x3  }
0x33: {  	p0 =	seq.s32 s10, $0x1;
	s10 =	sld [smem:$0x3FB4];
	_ =	sdelay $0x3  }
0x34: {  	[smem:$0x3FB4] =	sst s10  }
0x35: {  	s10 =	sld [smem:$0x3FB3];
	_ =	sdelay $0x3  }
0x36: {  	p1 =	seq.s32 s10, $0x1;
	s10 =	sld [smem:$0x3FB4];
	_ =	sdelay $0x3  }
0x37: {  	[smem:$0x3FB4] =	sst s10  }
0x38: {  	s10 =	sld [smem:$0x3FB5]  }
0x39: {  	_ = 	snop;
	(pc) =	sbr.ind lr, $3  }
0x3a: {  	_ = 	snop  }
0x3b: {  	_ = 	snop  }
0x3c: {  	p2 =	seq.s32 s10, $0x1;
	s10 =	sld [smem:$0x3FB4]  }
0x3d: {  	_ =	shalt  }
0x3e: {  	_ =	shalt  }
0x3f: {  	_ =	shalt  }
0x40: {  	_ =	shalt  }
0x41: {  	_ =	shalt  }
0x42: {  	_ =	shalt  }
0x43: {  	_ =	shalt  }
0x44: {  	_ =	shalt  }
0x45: {  	_ =	shalt  }
0x46: {  	_ =	shalt  }
0x47: {  	_ =	shalt  }
0x48: {  	_ =	shalt  }
0x49: {  	_ =	shalt  }
0x4a: {  	_ =	shalt  }
0x4b: {  	_ =	shalt  }
0x4c: {  	_ =	shalt  }
0x4d: {  	_ =	shalt  }
0x4e: {  	_ =	shalt  }
0x4f: {  	_ =	shalt  }
0x50: {  	_ =	shalt  }
0x51: {  	_ =	shalt  }
0x52: {  	_ =	shalt  }
0x53: {  	_ =	shalt  }
0x54: {  	_ =	shalt  }
0x55: {  	_ =	shalt  }
0x56: {  	_ =	shalt  }
0x57: {  	_ =	shalt  }
0x58: {  	_ =	shalt  }
0x59: {  	_ =	shalt  }
0x5a: {  	_ =	shalt  }
0x5b: {  	_ =	shalt  }
0x5c: {  	_ =	shalt  }
0x5d: {  	_ =	shalt  }
0x5e: {  	_ =	shalt  }
0x5f: {  	_ =	shalt  }
0x60: {  	_ =	shalt  }
0x61: {  	_ =	shalt  }
0x62: {  	_ =	shalt  }
0x63: {  	_ =	shalt  }
0x64: {  	_ =	shalt  }
0x65: {  	_ =	shalt  }
0x66: {  	_ =	shalt  }
0x67: {  	_ =	shalt  }
0x68: {  	_ =	shalt  }
0x69: {  	_ =	shalt  }
0x6a: {  	_ =	shalt  }
0x6b: {  	_ =	shalt  }
0x6c: {  	_ =	shalt  }
0x6d: {  	_ =	shalt  }
0x6e: {  	_ =	shalt  }
0x6f: {  	_ =	shalt  }
0x70: {  	_ =	shalt  }
0x71: {  	_ =	shalt  }
0x72: {  	_ =	shalt  }
0x73: {  	_ =	shalt  }
0x74: {  	_ =	shalt  }
0x75: {  	_ =	shalt  }
0x76: {  	_ =	shalt  }
0x77: {  	_ =	shalt  }
0x78: {  	_ =	shalt  }
0x79: {  	_ =	shalt  }
0x7a: {  	_ =	shalt  }
0x7b: {  	_ =	shalt  }
0x7c: {  	_ =	shalt  }
0x7d: {  	_ =	shalt  }
0x7e: {  	_ =	shalt  }
0x7f: {  	_ =	shalt  }
0x80: {  	_ =	shalt  }
0x81: {  	_ =	shalt  }
0x82: {  	_ =	shalt  }
0x83: {  	_ =	shalt  }
0x84: {  	_ =	shalt  }
0x85: {  	_ =	shalt  }
0x86: {  	_ =	shalt  }
0x87: {  	_ =	shalt  }
.Lfunc_end0:
.L_simem_size_0:
called_computation_lowered:
.L_overlay_start_0:
0x88: {  	s2 =	sld [smem:$0x3FD9]  }
0x89: {  	s3 =	sld [smem:$0x3FFE];
	_ =	sdelay $0x1  }
0x8a: {  	s1 =	srdreg.scid  }
0x8b: {  	s0 =	sand.u32 $0x1, s1  }
0x8c: {  	s17 =	sshll.u32 s0, $0xA;
	s2 =	sadd.s32 s3, s2  }
0x8d: {  	s2 =	sadd.s32 s2, s17  }
0x8e: {  	[smem:$0x3FC0] =	sst s2  }
0x8f: {  	_ = 	snop  }
0x90: {  	s2 =	sld [smem:$0x3FC9]  }
0x91: {  	s18 =	sld [smem:$0x3FD0];
	(tm) =	ssettm $0x1  }
0x92: {  	s4 =	sld [smem:$0x3FFB];
	_ =	sdelay $0x3  }
0x93: {  	_ =	strace s4  }
0x94: {  	s4 =	sld [smem:$0x3FFC];
	_ =	sdelay $0x3  }
0x95: {  	_ =	strace s4  }
0x96: {  	s4 =	sld [smem:$0x3FFD];
	_ =	sdelay $0x3  }
0x97: {  	_ =	strace s4  }
0x98: {  	_ =	strace $0x8FFFFFFF  }
0x99: {  	s19 =	sld [smem:$0x3FDB];
	_ =	sdelay $0x1  }
0x9a: {  	s5 =	simm.s32 $_scs_section_size  }
0x9b: {  	s6 =	simm.s32 $_size__tile_overlayer_lowered;
	s7 =	simm.s32 $_tile_overlayer_lowered  }
0x9c: {  	s22 =	simm.s32 $0x1BFF;
	s21 =	sshll.u32 s7, $0x1;
	s4 =	sadd.s32 s5, s19  }
0x9d: {  	s8 =	simm.s32 $0x0;
	s20 =	sshll.u32 s6, $0x1;
	s6 =	sadd.s32 s21, s4  }
0x9e: {  	[timem:s8], [sflag:s22] =	dma.local [hbm:s6], s20  }
0x9f: {  	_ =	swait.ge [sflag:s22], s20  }
0xa0: {  	s5 =	ssub.s32 $0x0, s20;
	[sflag:s22] =	ssyncset.done $0x0  }
0xa1: {  	[sflag:s22] =	ssyncadd.s32 s5;
	_ =	sdelay $0x1  }
0xa2: {  	s23 =	simm.s32 $0x1B8B  }
0xa3: {  	_ =	swait.ge [sflag:s23], $0x1  }
0xa4: {  	[sflag:s23] =	ssyncset.done $0x0  }
0xa5: {  	s25 =	simm.s32 $0x1B8E;
	s24 =	sld [smem:$0x3FFE];
	[sflag:s23] =	ssyncadd.s32 $0xFFFFFFFF  }
0xa6: {  	s26 =	simm.s32 $execute0_lowered;
	[smem:$0x3FD2] =	sst s25  }
0xa7: {  	s6 =	sshll.u32 s26, $0x1;
	_ =	strace $0x80000046;
	[dreg:$0x1] =	wrdreg $0xFFFFFFFF  }
0xa8: {  	s28 =	simm.s32 $_size_execute0_lowered;
	s4 =	sadd.s32 s4, s6;
	[dreg:$0x0] =	wrdreg $0x0  }
0xa9: {  	s6 =	sshll.u32 s28, $0x1;
	[dreg:$0x2] =	wrdreg s4  }
0xaa: {  	[dreg:$0x3] =	wrdreg s6  }
0xab: {  	[dreg:$0x4] =	wrdreg $0xC0  }
0xac: {  	_ =	task [dreg:s8], $0x5FFFF  }
0xad: {  	[dreg:$0x1] =	wrdreg $0xFFFFFFFF  }
0xae: {  	[dreg:$0x0] =	wrdreg $0x60  }
0xaf: {  	[dreg:$0x2] =	wrdreg s2  }
0xb0: {  	[dreg:$0x3] =	wrdreg s18  }
0xb1: {  	[dreg:$0x4] =	wrdreg s24  }
0xb2: {  	[dreg:$0x5] =	wrdreg $0x9  }
0xb3: {  	_ =	task.clear_ibuf [dreg:s8], $0x6FFFF;
	_ =	strace $0x90000046  }
0xb4: {  	s29 =	simm.s32 $0x9;
	_ =	strace $0x80000048  }
0xb5: {  	_ =	swait.ge [sflag:s29], $0x1  }
0xb6: {  	[sflag:s29] =	ssyncadd.s32 $0xFFFFFFFF  }
0xb7: {  	_ =	strace $0x90000048  }
0xb8: {  	_ =	sfence  }
0xb9: {  	s30 =	sld [smem:$0x0];
	_ =	sdelay $0x2  }
0xba: {  	s31 =	sshll.u32 s1, $0xD;
	s1 =	sshrl.u32 s1, $0x2  }
0xbb: {  	s3 =	sand.u32 $0x4000, s31;
	s1 =	sadd.s32 s1, s30  }
0xbc: {  	s0 =	sor.u32 s3, s0;
	s1 =	sshll.u32 s1, $0x11  }
0xbd: {  	s0 =	sor.u32 s1, s0  }
0xbe: {  	s0 =	sadd.s32 $0x8F2B, s0  }
0xbf: {  	[sflag:s0] =	ssyncadd.remote.s32 $0x1  }
0xc0: {  	_ =	sfence.sel $0xFFFF  }
0xc1: {  	[dreg:$0x0] =	wrdreg $0xFFFFFFFF;
	(pc) =	sbr.abs _section_cstart, $3  }
0xc2: {  	[dreg:$0x1] =	wrdreg $0xFFFFFFFF  }
0xc3: {  	_ =	task.clear_ibuf [dreg:s8], $0x2FFFF;
	_ =	strace $0x9FFFFFFF  }
0xc4: {  	(tm) =	ssettm $0x7FFFFFFF  }
0xc5: {  	_ =	shalt  }
tec
execute0_lowered:
.L_overlay_start_1:
0x0: {  	(tag) =	ssettag $0x1  }
0x1: {  	s0 =	srdreg.scid  }
0x2: {  	s4 =	sand.u32 $0x1, s0;
	s0 =	stileid.u32  }
0x3: {  	s6 =	sor.u32 s0, s4  }
0x4: {  	p0 =	sne.s32 s6, $0x0  }
.Ltmp0:
0x5: {  	_ = 	snop;
	(pc) =	sbr.rel @p0 .LBB2_9-.Ltmp0, $4  }
0x6: {  	s1 =	rddreg [dreg:$0x0]  }
0x7: {  	s3 =	rddreg [dreg:$0x1]  }
0x8: {  	s5 =	rddreg [dreg:$0x2]  }
0x9: {  	s2 =	rddreg [dreg:$0x3];
	_ =	strace $0x80000047  }
0xa: {  	s6 =	ssub.s32 $0x2, s4;
	s4 =	sadd.s32 $0x1000, s5  }
0xb: {  	s5 =	sadd.s32 $0x1200, s5;
	s8 =	simm.s32 $0x1;
	s9 =	simm.s32 $0x800  }
0xc: {  	s10 =	simm.s32 $0xA00;
	s11 =	simm.s32 $0x1200;
	s7 =	sshrl.u32 s6, $0x1  }
0xd: {  	v0 =	vimm.f32 $0.0e+00;
	s12 =	simm.s32 $0x0;
	s6 =	ssub.s32 s6, s7;
	s7 =	simm.s32 $0x0  }
.LBB2_2:
0xe: {  	[tilespmem:s7], [sflag:$0x1] =	stream.linear.gather [hbm4b:s1+s7], $0x800, $0x38;
	[tilespmem:$0x1B200] =	vst v63  }
0xf: {  	_ =	swait.ge [sflag:s8], $0x800  }
0x10: {  	[sflag:s8] =	ssyncset.done $0x0  }
0x11: {  	[sflag:s8] =	ssyncadd.s32 $0xFFFFF800  }
0x12: {  	[tilespmem:s9], [sflag:$0x1] =	stream.linear.gather [hbm4b:s3+s7], $0x200, $0x38;
	[tilespmem:$0x1B200] =	vst v63  }
0x13: {  	_ =	swait.ge [sflag:s8], $0x200  }
0x14: {  	[sflag:s8] =	ssyncset.done $0x0  }
0x15: {  	s13 =	simm.s32 $0x0;
	s14 =	simm.s32 $0x40;
	[sflag:s8] =	ssyncadd.s32 $0xFFFFFE00  }
.LBB2_3:
0x16: {  	p0 =	sne.s32 s14, $0x1FC0;
	[tilespmem:s13+$0x14A80] =	vst v0  }
0x17: {  	[tilespmem:s13+$0x1A00] =	vst v0  }
0x18: {  	[tilespmem:s13+$0x2B00] =	vst v0  }
0x19: {  	[tilespmem:s13+$0x3D00] =	vst v0  }
0x1a: {  	[tilespmem:s13+$0x5000] =	vst v0  }
0x1b: {  	[tilespmem:s13+$0x6400] =	vst v0  }
0x1c: {  	[tilespmem:s13+$0x7880] =	vst v0  }
0x1d: {  	[tilespmem:s13+$0x8E00] =	vst v0  }
0x1e: {  	[tilespmem:s13+$0xA480] =	vst v0  }
0x1f: {  	[tilespmem:s13+$0xBC80] =	vst v0  }
0x20: {  	[tilespmem:s13+$0xCD80] =	vst v0  }
.Ltmp1:
0x21: {  	[tilespmem:s13+$0xE080] =	vst v0;
	(pc) =	sbr.rel @p0 .LBB2_3-.Ltmp1, $4  }
0x22: {  	[tilespmem:s13+$0xF400] =	vst v0  }
0x23: {  	[tilespmem:s13+$0x10880] =	vst v0  }
0x24: {  	[tilespmem:s13+$0x11E00] =	vst v0  }
0x25: {  	[tilespmem:s13+$0x13400] =	vst v0;
	s13 =	sshra.s32 s14, $0x2;
	s14 =	sadd.s32 $0x40, s14  }
0x26: {  	[tilespmem:s13+$0x14A80] =	vst v0  }
0x27: {  	[tilespmem:s13+$0x1A00] =	vst v0  }
0x28: {  	[tilespmem:s13+$0x2B00] =	vst v0  }
0x29: {  	[tilespmem:s13+$0x3D00] =	vst v0  }
0x2a: {  	[tilespmem:s13+$0x5000] =	vst v0  }
0x2b: {  	[tilespmem:s13+$0x6400] =	vst v0  }
0x2c: {  	[tilespmem:s13+$0x7880] =	vst v0  }
0x2d: {  	[tilespmem:s13+$0x8E00] =	vst v0  }
0x2e: {  	[tilespmem:s13+$0xA480] =	vst v0  }
0x2f: {  	[tilespmem:s13+$0xBC80] =	vst v0  }
0x30: {  	[tilespmem:s13+$0xCD80] =	vst v0  }
0x31: {  	[tilespmem:s13+$0xE080] =	vst v0  }
0x32: {  	[tilespmem:s13+$0xF400] =	vst v0  }
0x33: {  	[tilespmem:s13+$0x10880] =	vst v0  }
0x34: {  	[tilespmem:s13+$0x11E00] =	vst v0  }
0x35: {  	[tilespmem:s13+$0x13400] =	vst v0;
	s13 =	simm.s32 $0x0;
	s14 =	simm.s32 $0x40  }
.LBB2_5:
0x36: {  	p0 =	sne.s32 s14, $0x900;
	[tilespmem:s13+$0x1A880] =	vst v0  }
0x37: {  	[tilespmem:s13+$0x16300] =	vst v0  }
0x38: {  	[tilespmem:s13+$0x16D80] =	vst v0  }
.Ltmp2:
0x39: {  	[tilespmem:s13+$0x17780] =	vst v0;
	(pc) =	sbr.rel @p0 .LBB2_5-.Ltmp2, $4  }
0x3a: {  	[tilespmem:s13+$0x18100] =	vst v0  }
0x3b: {  	[tilespmem:s13+$0x18A00] =	vst v0  }
0x3c: {  	[tilespmem:s13+$0x19480] =	vst v0  }
0x3d: {  	[tilespmem:s13+$0x19E80] =	vst v0;
	s13 =	sshra.s32 s14, $0x2;
	s14 =	sadd.s32 $0x40, s14  }
0x3e: {  	[tilespmem:s13+$0x1A880] =	vst v0  }
0x3f: {  	[tilespmem:s13+$0x16300] =	vst v0  }
0x40: {  	[tilespmem:s13+$0x16D80] =	vst v0  }
0x41: {  	[tilespmem:s13+$0x17780] =	vst v0  }
0x42: {  	[tilespmem:s13+$0x18100] =	vst v0  }
0x43: {  	[tilespmem:s13+$0x18A00] =	vst v0  }
0x44: {  	[tilespmem:s13+$0x19480] =	vst v0  }
0x45: {  	[tilespmem:s13+$0x19E80] =	vst v0  }
0x46: {  	v21 =	vld [tilespmem:$0x800]  }
0x47: {  	v15 =	vld [tilespmem:$0x810]  }
0x48: {  	v14 =	vld [tilespmem:$0x820]  }
0x49: {  	v13 =	vld [tilespmem:$0x830]  }
0x4a: {  	v16 =	vld [tilespmem:$0x840]  }
0x4b: {  	v20 =	vld [tilespmem:$0x850]  }
0x4c: {  	v2 =	vld [tilespmem:$0x860]  }
0x4d: {  	v0 =	vld [tilespmem:$0x870]  }
0x4e: {  	v6 =	vld [tilespmem:$0x880]  }
0x4f: {  	v9 =	vld [tilespmem:$0x890]  }
0x50: {  	v10 =	vld [tilespmem:$0x8A0]  }
0x51: {  	v11 =	vld [tilespmem:$0x8B0]  }
0x52: {  	v12 =	vld [tilespmem:$0x8C0]  }
0x53: {  	v19 =	vld [tilespmem:$0x8D0]  }
0x54: {  	v3 =	vld [tilespmem:$0x8E0]  }
0x55: {  	v4 =	vld [tilespmem:$0x8F0]  }
0x56: {  	v7 =	vld [tilespmem:$0x900]  }
0x57: {  	v24 =	vld [tilespmem:$0x910]  }
0x58: {  	v22 =	vld [tilespmem:$0x920]  }
0x59: {  	v26 =	vld [tilespmem:$0x940]  }
0x5a: {  	v25 =	vld [tilespmem:$0x950]  }
0x5b: {  	v23 =	vld [tilespmem:$0x960]  }
0x5c: {  	v5 =	vld [tilespmem:$0x970]  }
0x5d: {  	s13 =	simm.s32 $0x0;
	v61 =	vld [tilespmem:$0x9A0]  }
0x5e: {  	v28 =	vld [tilespmem:s13+$0x1A10]  }
0x5f: {  	v29 =	vld [tilespmem:s13+$0xBC90]  }
0x60: {  	v30 =	vld [tilespmem:s13+$0x2B10]  }
0x61: {  	v31 =	vld [tilespmem:s13+$0xCD90]  }
0x62: {  	v32 =	vld [tilespmem:s13+$0x3D10]  }
0x63: {  	v33 =	vld [tilespmem:s13+$0xE090]  }
0x64: {  	v34 =	vld [tilespmem:s13+$0x5010];
	v36 =	vadd.f32 $0.0e+00, v28  }
0x65: {  	v35 =	vld [tilespmem:s13+$0xF410];
	v41 =	vadd.f32 $0.0e+00, v29  }
0x66: {  	v37 =	vld [tilespmem:s13+$0x6410];
	v36 =	vadd.f32 v30, v36  }
0x67: {  	v1 =	vld [tilespmem:s13+$0xA490];
	v41 =	vadd.f32 v31, v41  }
0x68: {  	v38 =	vld [tilespmem:s13+$0x10890];
	v36 =	vadd.f32 v32, v36  }
0x69: {  	v43 =	vld [tilespmem:s13+$0x7890];
	[tilespmem:$0x1FE30] =	vst v0;
	v41 =	vadd.f32 v33, v41  }
0x6a: {  	v44 =	vld [tilespmem:s13+$0x11E10];
	[tilespmem:$0x1FFB0] =	vst v5;
	v36 =	vadd.f32 v34, v36  }
0x6b: {  	v42 =	vld [tilespmem:s13+$0x8E10];
	[tilespmem:$0x1FFE0] =	vst v61;
	v41 =	vadd.f32 v35, v41  }
0x6c: {  	v45 =	vld [tilespmem:s13+$0x13410];
	[tilespmem:$0x1FE40] =	vst v1;
	v36 =	vadd.f32 v37, v36  }
0x6d: {  	v46 =	vld [tilespmem:s13+$0x16310];
	[tilespmem:$0x1FE50] =	vst v21;
	v41 =	vadd.f32 v38, v41  }
0x6e: {  	v39 =	vld [tilespmem:s13+$0x14A90];
	[tilespmem:$0x1FE60] =	vst v15;
	v36 =	vadd.f32 v43, v36  }
0x6f: {  	v48 =	vld [tilespmem:s13+$0x16D90];
	[tilespmem:$0x1FE70] =	vst v6;
	v41 =	vadd.f32 v44, v41  }
0x70: {  	v47 =	vld [tilespmem:s13+$0x18A10];
	[tilespmem:$0x1FE80] =	vst v14;
	v36 =	vadd.f32 v42, v36  }
0x71: {  	v50 =	vld [tilespmem:s13+$0x17790];
	[tilespmem:$0x1FE90] =	vst v9;
	v41 =	vadd.f32 v45, v41  }
0x72: {  	v49 =	vld [tilespmem:s13+$0x19490];
	v52 =	vmul.f32 v46, v7;
	[tilespmem:$0x1FEA0] =	vst v7;
	v36 =	vadd.f32 v1, v36  }
0x73: {  	v51 =	vld [tilespmem:s13+$0x19E90];
	[tilespmem:$0x1FEB0] =	vst v10;
	v41 =	vadd.f32 v39, v41  }
0x74: {  	v53 =	vld [tilespmem:s13+$0x18110];
	v8 =	vmul.f32 v48, v24;
	[tilespmem:$0x1FEC0] =	vst v26;
	v52 =	vadd.f32 v52, v36;
	v36 =	vsub.f32 v46, v36  }
0x75: {  	v0 =	vld [tilespmem:$0x930];
	v60 =	vmul.f32 v47, v26;
	[tilespmem:$0x1FED0] =	vst v13;
	v47 =	vsub.f32 v47, v41  }
0x76: {  	v54 =	vld [tilespmem:s13+$0x1A890];
	v62 =	vmul.f32 v50, v22;
	[tilespmem:$0x1FEE0] =	vst v11;
	v46 =	vadd.f32 v8, v36;
	v36 =	vsub.f32 v48, v36  }
0x77: {  	v17 =	vld [tilespmem:$0x980];
	v63 =	vmul.f32 v49, v25;
	[tilespmem:$0x1FEF0] =	vst v24;
	v41 =	vadd.f32 v60, v41;
	v49 =	vsub.f32 v49, v47  }
0x78: {  	v18 =	vld [tilespmem:$0x990];
	[tilespmem:$0x1FF00] =	vst v16;
	v48 =	vadd.f32 v62, v36  }
0x79: {  	v58 =	vld [tilespmem:s13+$0x10];
	[tilespmem:s13+$0x18C53] =	vst v41;
	v36 =	vsub.f32 v50, v36;
	v41 =	vsub.f32 v51, v49  }
0x7a: {  	[tilespmem:$0x1FF90] =	vst v0  }
0x7b: {  	v40 =	vld [tilespmem:s13+$0x1A00];
	v59 =	vmul.f32 v53, v0;
	[tilespmem:s13+$0x178E5] =	vst v48;
	v48 =	vsub.f32 v53, v36;
	v0 =	vsub.f32 v54, v41  }
0x7c: {  	v56 =	vld [tilespmem:s13+$0xBC80];
	v27 =	vmul.f32 v29, v6;
	v29 =	vmul.f32 v33, v10;
	[tilespmem:$0x1FF10] =	vst v12  }
0x7d: {  	v57 =	vld [tilespmem:s13+$0x2B00];
	[tilespmem:$0x1FF20] =	vst v25;
	v8 =	vmul.f32 v0, v17;
	v60 =	vmul.f32 v48, v18  }
0x7e: {  	v55 =	vld [tilespmem:s13+$0xF400];
	v61 =	vmul.f32 v58, v61;
	[tilespmem:$0x1FF30] =	vst v20;
	v47 =	vadd.f32 v63, v47;
	v36 =	vadd.f32 v59, v36  }
0x7f: {  	[tilespmem:$0x1FE20] =	vst v29;
	v29 =	vld [tilespmem:$0x1FE30];
	v48 =	vmul.f32 v48, v17;
	v53 =	vmul.f32 v0, v18;
	v59 =	vadd.f32 v8, v60  }
0x80: {  	v1 =	vmov v39;
	v39 =	vld [tilespmem:s13+$0xCD80];
	[tilespmem:s13+$0x19660] =	vst v47;
	v47 =	vmul.f32 v54, v5  }
0x81: {  	[tilespmem:s13+$0x1653C] =	vst v52;
	v52 =	vld [tilespmem:s13+$0xE080];
	v48 =	vadd.f32 v53, v48;
	v59 =	vadd.f32 v59, v61  }
0x82: {  	[tilespmem:$0x1FFF0] =	vst v27;
	v50 =	vld [tilespmem:s13+$0x3D00];
	v51 =	vmul.f32 v51, v23;
	v41 =	vadd.f32 v47, v41  }
0x83: {  	v63 =	vld [tilespmem:s13+$0x7880];
	[tilespmem:s13+$0x1210] =	vst v59;
	v59 =	vmul.f32 v28, v21;
	v28 =	vadd.f32 v48, v61;
	v48 =	vadd.f32 $0.0e+00, v40  }
0x84: {  	v30 =	vmul.f32 v30, v15;
	[tilespmem:s13+$0x16F49] =	vst v46;
	v46 =	vld [tilespmem:s13+$0x5000]  }
0x85: {  	v27 =	vmul.f32 v31, v9;
	v62 =	vld [tilespmem:s13+$0x10880];
	v49 =	vadd.f32 v51, v49;
	[tilespmem:s13+$0x1A9B1] =	vst v41;
	v31 =	vadd.f32 v57, v48  }
0x86: {  	v33 =	vmul.f32 v35, v11;
	v43 =	vmul.f32 v43, v20;
	v60 =	vld [tilespmem:s13+$0x6400];
	[tilespmem:s13+$0xA10] =	vst v28;
	v28 =	vadd.f32 $0.0e+00, v56  }
0x87: {  	v5 =	vld [tilespmem:s13+$0xA480];
	v41 =	vmul.f32 v34, v13;
	[tilespmem:s13+$0x1A01C] =	vst v49;
	v49 =	vmul.f32 v37, v16;
	v31 =	vadd.f32 v50, v31  }
0x88: {  	[tilespmem:$0x1FF40] =	vst v22;
	v34 =	vmul.f32 v38, v12;
	v61 =	vld [tilespmem:s13+$0x18A00];
	v51 =	vadd.f32 v39, v28;
	v28 =	vmul.f32 $1.499999970e-02, v58  }
0x89: {  	[tilespmem:s13+$0x181F1] =	vst v36;
	v36 =	vld [tilespmem:s13+$0x11E00];
	v53 =	vmul.f32 v32, v14;
	v32 =	vmul.f32 v57, v15;
	v31 =	vadd.f32 v46, v31  }
0x8a: {  	[tilespmem:$0x1FF50] =	vst v19;
	v0 =	vld [tilespmem:s13+$0x8E00];
	v40 =	vmul.f32 v40, v21;
	v47 =	vadd.f32 v52, v51;
	v59 =	vadd.f32 v59, v28  }
0x8b: {  	[tilespmem:$0x1FF60] =	vst v2;
	v38 =	vadd.f32 v60, v31;
	v31 =	vmul.f32 v45, v3;
	v45 =	vadd.f32 v53, v28;
	v53 =	vld [tilespmem:$0x1FE40]  }
0x8c: {  	[tilespmem:$0x1FF70] =	vst v23;
	v58 =	vld [tilespmem:s13+$0x16300];
	v39 =	vmul.f32 v39, v9;
	v37 =	vadd.f32 v30, v28;
	v35 =	vadd.f32 v55, v47  }
0x8d: {  	[tilespmem:$0x1FF80] =	vst v3;
	v8 =	vld [tilespmem:s13+$0x13400];
	v15 =	vmul.f32 v61, v26;
	v21 =	vadd.f32 v41, v28;
	v38 =	vadd.f32 v63, v38  }
0x8e: {  	v54 =	vld [tilespmem:s13+$0x14A80];
	v49 =	vadd.f32 v49, v28;
	[tilespmem:s13+$0x22AD] =	vst v59;
	v59 =	vmul.f32 v42, v2;
	v42 =	vadd.f32 v62, v35  }
0x8f: {  	[tilespmem:$0x1FFA0] =	vst v4;
	v48 =	vld [tilespmem:s13+$0x16D80];
	v30 =	vmul.f32 v44, v19;
	v43 =	vadd.f32 v43, v28;
	v38 =	vadd.f32 v0, v38  }
0x90: {  	[tilespmem:$0x1FFC0] =	vst v18;
	v46 =	vmul.f32 v46, v13;
	v51 =	vmul.f32 v53, v29;
	v53 =	vadd.f32 v36, v42  }
0x91: {  	[tilespmem:s13+$0x34B5] =	vst v37;
	v47 =	vld [tilespmem:s13+$0x19480];
	v37 =	vmul.f32 v56, v6;
	v9 =	vmul.f32 v58, v7;
	v6 =	vadd.f32 v5, v38  }
0x92: {  	v57 =	vld [tilespmem:s13+$0x17780];
	[tilespmem:s13+$0x85FF] =	vst v43;
	v43 =	vmul.f32 v55, v11;
	v35 =	vmul.f32 v1, v4;
	v56 =	vadd.f32 v8, v53  }
0x93: {  	v1 =	vmovc v36;
	v42 =	vmul.f32 v50, v14;
	v50 =	vld [tilespmem:s13+$0x18100];
	v14 =	vsub.f32 v58, v6;
	v36 =	vadd.f32 v9, v6  }
0x94: {  	[tilespmem:s13+$0x4792] =	vst v45;
	v6 =	vmul.f32 v48, v24;
	v45 =	vadd.f32 v54, v56;
	v56 =	vmul.f32 v63, v20;
	v20 =	vld [tilespmem:$0x1FF90]  }
0x95: {  	v44 =	vld [tilespmem:s13+$0x19E80];
	[tilespmem:s13+$0x5BC6] =	vst v21;
	v21 =	vadd.f32 v59, v28;
	v38 =	vmul.f32 v52, v10;
	v48 =	vsub.f32 v48, v14  }
0x96: {  	[tilespmem:s13+$0x7077] =	vst v49;
	v10 =	vmul.f32 v47, v25;
	v51 =	vadd.f32 v51, v28;
	v49 =	vadd.f32 v6, v14  }
0x97: {  	[tilespmem:$0x1FFD0] =	vst v17;
	v7 =	vld [tilespmem:s13+$0x1A880];
	v53 =	vmul.f32 v60, v16;
	v41 =	vsub.f32 v61, v45;
	v14 =	vsub.f32 v57, v48  }
0x98: {  	[tilespmem:s13+$0x9C3B] =	vst v21;
	v9 =	vld [tilespmem:s13+$0x0];
	v52 =	vadd.f32 v15, v45;
	v45 =	vmul.f32 v62, v12;
	v12 =	vmul.f32 v57, v22  }
0x99: {  	[tilespmem:s13+$0xB431] =	vst v51;
	v22 =	vld [tilespmem:$0x1FFB0];
	v11 =	vsub.f32 v47, v41;
	v21 =	vmul.f32 v50, v20;
	v50 =	vsub.f32 v50, v14  }
0x9a: {  	v16 =	vmul.f32 v44, v23;
	v63 =	vld [tilespmem:$0x1FFF0];
	[tilespmem:s13+$0x16F39] =	vst v49;
	v49 =	vmul.f32 v54, v4;
	v13 =	vadd.f32 v10, v41  }
0x9b: {  	[tilespmem:s13+$0x1652C] =	vst v36;
	v44 =	vsub.f32 v44, v11;
	v54 =	vmul.f32 v50, v17;
	v57 =	vmul.f32 v50, v18;
	v50 =	vld [tilespmem:$0x1FFE0]  }
0x9c: {  	v58 =	vmul.f32 v0, v2;
	v47 =	vmul.f32 v1, v19;
	[tilespmem:s13+$0x18C43] =	vst v52;
	v15 =	vadd.f32 v12, v48  }
0x9d: {  	v48 =	vmul.f32 v8, v3;
	[tilespmem:s13+$0x19650] =	vst v13;
	v19 =	vadd.f32 v16, v11;
	v59 =	vsub.f32 v7, v44  }
0x9e: {  	v52 =	vmul.f32 v5, v29;
	[tilespmem:s13+$0x178D5] =	vst v15;
	v23 =	vmul.f32 v7, v22;
	v41 =	vadd.f32 v21, v14  }
0x9f: {  	s14 =	simm.s32 $0x20;
	v36 =	vadd.f32 v63, v28;
	[tilespmem:s13+$0x1A00C] =	vst v19;
	v62 =	vmul.f32 v59, v18;
	v61 =	vmul.f32 v59, v17  }
0xa0: {  	s15 =	simm.s32 $0x100;
	v55 =	vadd.f32 v23, v44;
	v51 =	vld [tilespmem:s14+$0x1A10];
	[tilespmem:s13+$0x181E1] =	vst v41;
	v59 =	vmul.f32 $1.499999970e-02, v9;
	v60 =	vmul.f32 v9, v50  }
.LBB2_7:
0xa1: {  	v44 =	vld [tilespmem:s14+$0xBC90]  }
0xa2: {  	v3 =	vld [tilespmem:$0x1FE50]  }
0xa3: {  	v7 =	vld [tilespmem:$0x1FE70]  }
0xa4: {  	v5 =	vld [tilespmem:$0x1FE60]  }
0xa5: {  	v22 =	vld [tilespmem:$0x1FE80]  }
0xa6: {  	v13 =	vld [tilespmem:$0x1FEB0]  }
0xa7: {  	v21 =	vld [tilespmem:$0x1FED0]  }
0xa8: {  	v12 =	vld [tilespmem:$0x1FEE0]  }
0xa9: {  	v20 =	vld [tilespmem:$0x1FF00]  }
0xaa: {  	v8 =	vld [tilespmem:$0x1FFA0]  }
0xab: {  	v26 =	vld [tilespmem:$0x1FF40]  }
0xac: {  	v29 =	vadd.f32 v27, v28;
	v27 =	vld [tilespmem:$0x1FF70]  }
0xad: {  	v24 =	vld [tilespmem:$0x1FF90]  }
0xae: {  	v25 =	vld [tilespmem:$0x1FFB0];
	[tilespmem:s13+$0x1A9A1] =	vst v55  }
0xaf: {  	v55 =	vld [tilespmem:s14+$0x2B10]  }
0xb0: {  	v50 =	vadd.f32 v62, v54;
	v40 =	vadd.f32 v40, v59;
	[tilespmem:s13+$0xC575] =	vst v36;
	v36 =	vld [tilespmem:$0x1FE90]  }
0xb1: {  	v14 =	vadd.f32 v61, v57;
	v15 =	vld [tilespmem:s14+$0xCD90]  }
0xb2: {  	v18 =	vadd.f32 v50, v60;
	v19 =	vld [tilespmem:s14+$0x3D10];
	[tilespmem:s13+$0x229D] =	vst v40  }
0xb3: {  	v54 =	vadd.f32 v14, v60;
	v9 =	vld [tilespmem:s14+$0xE090]  }
0xb4: {  	[tilespmem:s13+$0xA00] =	vst v18;
	v18 =	vld [tilespmem:$0x1FE20]  }
0xb5: {  	v10 =	vadd.f32 $0.0e+00, v51;
	v11 =	vld [tilespmem:s14+$0x5010];
	[tilespmem:s13+$0x1200] =	vst v54  }
0xb6: {  	v41 =	vadd.f32 v32, v59;
	v63 =	vld [tilespmem:s14+$0xF410]  }
0xb7: {  	v0 =	vmul.f32 v44, v7;
	v16 =	vadd.f32 v55, v10;
	v10 =	vld [tilespmem:$0x1FF50]  }
0xb8: {  	[tilespmem:s13+$0x34A5] =	vst v41;
	v41 =	vld [tilespmem:$0x1FEA0]  }
0xb9: {  	v23 =	vadd.f32 v42, v59;
	v44 =	vadd.f32 $0.0e+00, v44;
	[tilespmem:$0x1FE00] =	vst v0;
	v0 =	vld [tilespmem:$0x1FEC0]  }
0xba: {  	v17 =	vld [tilespmem:s14+$0x6410]  }
0xbb: {  	v32 =	vadd.f32 v46, v59;
	v4 =	vmul.f32 v15, v36;
	v44 =	vadd.f32 v15, v44;
	[tilespmem:s13+$0x4782] =	vst v23;
	v15 =	vld [tilespmem:$0x1FE30]  }
0xbc: {  	v53 =	vadd.f32 v53, v59;
	v40 =	vld [tilespmem:s14+$0x10890]  }
0xbd: {  	v1 =	vadd.f32 v52, v59;
	v52 =	vmul.f32 v19, v22;
	[tilespmem:s13+$0x5BB6] =	vst v32;
	v19 =	vadd.f32 v19, v16;
	v16 =	vld [tilespmem:$0x1FF60]  }
0xbe: {  	v60 =	vld [tilespmem:s14+$0x7890]  }
0xbf: {  	v2 =	vmul.f32 v9, v13;
	v44 =	vadd.f32 v9, v44;
	[tilespmem:s13+$0x7067] =	vst v53;
	v9 =	vld [tilespmem:$0x1FF80]  }
0xc0: {  	v56 =	vadd.f32 v56, v59;
	v46 =	vld [tilespmem:s14+$0x11E10]  }
0xc1: {  	v58 =	vadd.f32 v58, v59;
	v54 =	vmul.f32 v11, v21;
	v42 =	vadd.f32 v11, v19;
	v11 =	vld [tilespmem:$0x1FF10]  }
0xc2: {  	[tilespmem:s13+$0x85EF] =	vst v56;
	v19 =	vld [tilespmem:$0x1FF30]  }
0xc3: {  	v37 =	vadd.f32 v37, v59;
	v39 =	vadd.f32 v39, v59;
	v56 =	vld [tilespmem:s14+$0x8E10];
	[tilespmem:s13+$0x9C2B] =	vst v58  }
0xc4: {  	v38 =	vadd.f32 v38, v59;
	v50 =	vmul.f32 v51, v3;
	v44 =	vadd.f32 v63, v44;
	v58 =	vld [tilespmem:s14+$0x13410]  }
0xc5: {  	v51 =	vmul.f32 v55, v5;
	v55 =	vmul.f32 v17, v20;
	[tilespmem:s13+$0xB421] =	vst v1;
	v42 =	vadd.f32 v17, v42;
	v17 =	vld [tilespmem:$0x1FEF0]  }
0xc6: {  	v14 =	vadd.f32 v45, v59;
	v6 =	vld [tilespmem:s14+$0xA490];
	[tilespmem:s13+$0xC565] =	vst v37;
	v45 =	vmul.f32 v40, v11;
	v40 =	vadd.f32 v40, v44  }
0xc7: {  	v32 =	vadd.f32 v43, v59;
	v37 =	vld [tilespmem:s14+$0x14A90];
	[tilespmem:s13+$0xD815] =	vst v39  }
0xc8: {  	v62 =	vadd.f32 v47, v59;
	v47 =	vmul.f32 v46, v10;
	v40 =	vadd.f32 v46, v40;
	v46 =	vld [tilespmem:s14+$0x16310];
	[tilespmem:s13+$0xEBEC] =	vst v38  }
0xc9: {  	v38 =	vld [tilespmem:s14+$0x18A10];
	[tilespmem:s13+$0x10067] =	vst v32  }
0xca: {  	v33 =	vadd.f32 v33, v28;
	v42 =	vadd.f32 v60, v42;
	v53 =	vld [tilespmem:s14+$0x16D90]  }
0xcb: {  	v34 =	vadd.f32 v34, v28;
	v39 =	vadd.f32 v48, v59;
	[tilespmem:s13+$0x11597] =	vst v14;
	v14 =	vld [tilespmem:$0x1FF20]  }
0xcc: {  	v48 =	vadd.f32 v49, v59;
	v42 =	vadd.f32 v56, v42;
	v1 =	vld [tilespmem:s14+$0x19490];
	[tilespmem:s13+$0x12B9F] =	vst v62  }
0xcd: {  	v30 =	vadd.f32 v30, v28;
	v23 =	vadd.f32 v18, v28;
	v61 =	vld [tilespmem:s14+$0x17790];
	[tilespmem:s13+$0x1424C] =	vst v39  }
0xce: {  	v59 =	vmul.f32 v56, v16;
	v42 =	vadd.f32 v6, v42;
	v62 =	vmul.f32 v46, v41;
	v56 =	vld [tilespmem:s14+$0x19E90];
	[tilespmem:s13+$0x15A95] =	vst v48  }
0xcf: {  	v31 =	vadd.f32 v31, v28;
	v57 =	vmul.f32 v60, v19;
	v60 =	vmul.f32 v6, v15;
	v48 =	vld [tilespmem:s14+$0x18110];
	[tilespmem:s13+$0xD825] =	vst v29  }
0xd0: {  	v46 =	vsub.f32 v46, v42;
	v29 =	vadd.f32 v62, v42;
	v6 =	vmul.f32 v53, v17;
	v42 =	vld [tilespmem:s14+$0x1A890];
	[tilespmem:s13+$0xEBFC] =	vst v23  }
0xd1: {  	v43 =	vmul.f32 v63, v12;
	v49 =	vmul.f32 v58, v9;
	v40 =	vadd.f32 v58, v40;
	v32 =	vld [tilespmem:s14+$0x1A00];
	[tilespmem:s13+$0x10077] =	vst v33  }
0xd2: {  	v18 =	vsub.f32 v53, v46;
	v33 =	vld [tilespmem:s14+$0xBC80];
	[tilespmem:s14+$0x1653C] =	vst v29;
	v29 =	vadd.f32 v6, v46;
	v23 =	vmul.f32 v61, v26  }
0xd3: {  	v58 =	vmul.f32 v37, v8;
	v37 =	vadd.f32 v37, v40;
	v63 =	vmul.f32 v38, v0;
	v46 =	vld [tilespmem:s14+$0x2B00];
	[tilespmem:s13+$0x115A7] =	vst v34  }
0xd4: {  	v6 =	vsub.f32 v61, v18;
	v34 =	vld [tilespmem:s14+$0x10];
	[tilespmem:s14+$0x16F49] =	vst v29;
	v29 =	vadd.f32 v23, v18;
	v18 =	vmul.f32 v48, v24  }
0xd5: {  	v28 =	vadd.f32 v35, v28;
	v38 =	vsub.f32 v38, v37;
	v53 =	vmul.f32 v1, v14;
	v39 =	vld [tilespmem:s14+$0xCD80]  }
0xd6: {  	[tilespmem:$0x1FE10] =	vst v58;
	v37 =	vadd.f32 v63, v37;
	v35 =	vadd.f32 v18, v6;
	v18 =	vld [tilespmem:$0x1FFD0]  }
0xd7: {  	v1 =	vsub.f32 v1, v38;
	v38 =	vadd.f32 v53, v38;
	[tilespmem:s14+$0x178E5] =	vst v29;
	v29 =	vld [tilespmem:$0x1FFC0]  }
0xd8: {  	v61 =	vmul.f32 v56, v27;
	[tilespmem:s14+$0x18C53] =	vst v37;
	v53 =	vld [tilespmem:s14+$0x3D00];
	v23 =	vadd.f32 $0.0e+00, v32  }
0xd9: {  	v56 =	vsub.f32 v56, v1;
	v63 =	vld [tilespmem:s14+$0xE080];
	[tilespmem:s14+$0x19660] =	vst v38;
	v40 =	vmul.f32 v32, v3;
	v32 =	vmov v2  }
0xda: {  	v44 =	vmov v4;
	v48 =	vsub.f32 v48, v6;
	[tilespmem:$0x1FE20] =	vst v32;
	v2 =	vadd.f32 v46, v23;
	v23 =	vld [tilespmem:$0x1FFE0]  }
0xdb: {  	v4 =	vld [tilespmem:s14+$0x5000];
	v62 =	vmul.f32 v42, v25;
	v37 =	vsub.f32 v42, v56;
	v32 =	vmul.f32 v46, v5;
	[tilespmem:s14+$0x181F1] =	vst v35  }
0xdc: {  	v58 =	vadd.f32 $0.0e+00, v33;
	v3 =	vmul.f32 v48, v29;
	v35 =	vmul.f32 v48, v18;
	v48 =	vld [tilespmem:s14+$0xF400];
	[tilespmem:s13+$0x12BAF] =	vst v30  }
0xdd: {  	v38 =	vmul.f32 v37, v18;
	v42 =	vmul.f32 v37, v29;
	v6 =	vld [tilespmem:s14+$0x6400];
	[tilespmem:s13+$0x1425C] =	vst v31  }
0xde: {  	v2 =	vadd.f32 v53, v2;
	v37 =	vmul.f32 v33, v7;
	v30 =	vadd.f32 v39, v58;
	v58 =	vld [tilespmem:s14+$0x10880];
	[tilespmem:s13+$0x15AA5] =	vst v28;
	s13 =	smov.u32 s14  }
0xdf: {  	v5 =	vmul.f32 v34, v23;
	v3 =	vadd.f32 v38, v3;
	v35 =	vadd.f32 v42, v35;
	v7 =	vld [tilespmem:s13+$0x7880]  }
0xe0: {  	v42 =	vmul.f32 v53, v22;
	v38 =	vmul.f32 v63, v13;
	v53 =	vadd.f32 v63, v30;
	v63 =	vld [tilespmem:s13+$0x11E00]  }
0xe1: {  	v1 =	vadd.f32 v61, v1;
	v22 =	vld [tilespmem:s13+$0xA480];
	v3 =	vadd.f32 v3, v5  }
0xe2: {  	v46 =	vmul.f32 v4, v21;
	v21 =	vadd.f32 v62, v56;
	v39 =	vmul.f32 v39, v36;
	v33 =	vmovc v43;
	v36 =	vld [tilespmem:s13+$0x14A80]  }
0xe3: {  	v2 =	vadd.f32 v4, v2;
	v43 =	vmul.f32 v48, v12;
	v48 =	vadd.f32 v48, v53;
	[tilespmem:s13+$0x1210] =	vst v3;
	v3 =	vld [tilespmem:s13+$0x8E00]  }
0xe4: {  	v28 =	vmul.f32 $1.499999970e-02, v34;
	v5 =	vadd.f32 v35, v5;
	v53 =	vmul.f32 v6, v20;
	v20 =	vld [tilespmem:s13+$0x13400]  }
0xe5: {  	v31 =	vmovc v49;
	v34 =	vmov v45;
	[tilespmem:s13+$0x1A9B1] =	vst v21;
	v2 =	vadd.f32 v6, v2;
	v48 =	vadd.f32 v58, v48  }
0xe6: {  	v62 =	vld [tilespmem:s13+$0x16300];
	[tilespmem:s13+$0x1A01C] =	vst v1;
	v61 =	vadd.f32 v50, v28;
	v12 =	vadd.f32 v52, v28;
	v45 =	vmul.f32 v58, v11  }
0xe7: {  	v30 =	vmovc v47;
	v56 =	vmul.f32 v7, v19;
	v2 =	vadd.f32 v7, v2;
	v4 =	vadd.f32 v63, v48  }
0xe8: {  	[tilespmem:s13+$0x22AD] =	vst v61;
	v61 =	vadd.f32 v59, v28;
	v11 =	vld [tilespmem:s13+$0x18A00];
	v47 =	vmul.f32 v63, v10;
	v52 =	vmul.f32 v22, v15  }
0xe9: {  	v13 =	vld [tilespmem:s13+$0x16D80];
	[tilespmem:s13+$0xA10] =	vst v5;
	v49 =	vmul.f32 v36, v8;
	v10 =	vadd.f32 v3, v2;
	v4 =	vadd.f32 v20, v4  }
0xea: {  	[tilespmem:s13+$0x4792] =	vst v12;
	v19 =	vld [tilespmem:s13+$0x19480];
	v63 =	vadd.f32 v51, v28;
	v58 =	vmul.f32 v3, v16;
	v16 =	vadd.f32 v54, v28  }
0xeb: {  	[tilespmem:s13+$0x9C3B] =	vst v61;
	v1 =	vadd.f32 v22, v10;
	v4 =	vadd.f32 v36, v4;
	v36 =	vmul.f32 v62, v41;
	v41 =	vld [tilespmem:s13+$0x19E80]  }
0xec: {  	v21 =	vld [tilespmem:s13+$0x17780];
	v48 =	vmul.f32 v20, v9;
	[tilespmem:s13+$0x34B5] =	vst v63;
	v20 =	vadd.f32 v55, v28;
	v9 =	vadd.f32 v60, v28  }
0xed: {  	v12 =	vld [tilespmem:s13+$0x0];
	v63 =	vmul.f32 v11, v0;
	[tilespmem:s13+$0x5BC6] =	vst v16;
	v22 =	vadd.f32 v57, v28;
	v35 =	vsub.f32 v62, v1  }
0xee: {  	[tilespmem:s13+$0x7077] =	vst v20;
	v10 =	vmul.f32 v13, v17;
	v62 =	vld [tilespmem:s13+$0x18100];
	v2 =	vsub.f32 v11, v4;
	v1 =	vadd.f32 v36, v1  }
0xef: {  	[tilespmem:s13+$0xB431] =	vst v9;
	v11 =	vld [tilespmem:s13+$0x1A880];
	v4 =	vadd.f32 v63, v4;
	v6 =	vsub.f32 v13, v35;
	v13 =	vmul.f32 v19, v14  }
0xf0: {  	[tilespmem:s13+$0x85FF] =	vst v22;
	v63 =	vld [tilespmem:$0x1FE10];
	v50 =	vsub.f32 v19, v2;
	v14 =	vadd.f32 v10, v35;
	v16 =	vmul.f32 v41, v27  }
0xf1: {  	v15 =	vmul.f32 v21, v26;
	[tilespmem:s13+$0x1652C] =	vst v1;
	v5 =	vsub.f32 v21, v6;
	v2 =	vadd.f32 v13, v2  }
0xf2: {  	p0 =	sne.s32 s15, $0x1F80;
	[tilespmem:s13+$0x18C43] =	vst v4;
	v17 =	vsub.f32 v41, v50;
	v22 =	vadd.f32 v16, v50;
	v50 =	vld [tilespmem:$0x1FE00]  }
.Ltmp3:
0xf3: {  	v59 =	vmul.f32 $1.499999970e-02, v12;
	[tilespmem:s13+$0x16F39] =	vst v14;
	v19 =	vadd.f32 v15, v6;
	v20 =	vmul.f32 v62, v24;
	(pc) =	sbr.rel @p0 .LBB2_7-.Ltmp3, $4  }
0xf4: {  	v60 =	vmul.f32 v12, v23;
	v36 =	vmul.f32 v11, v25;
	v21 =	vsub.f32 v62, v5;
	[tilespmem:s13+$0x19650] =	vst v2  }
0xf5: {  	v27 =	vmovc v44;
	v35 =	vmov v63;
	v41 =	vsub.f32 v11, v17;
	[tilespmem:s13+$0x178D5] =	vst v19;
	v44 =	vadd.f32 v20, v5  }
0xf6: {  	s14 =	sshra.s32 s15, $0x2;
	[tilespmem:s13+$0x1A00C] =	vst v22;
	v55 =	vadd.f32 v36, v17;
	v54 =	vmul.f32 v21, v18;
	v57 =	vmul.f32 v21, v29  }
0xf7: {  	s15 =	sadd.s32 $0x80, s15;
	v62 =	vmul.f32 v41, v29;
	v61 =	vmul.f32 v41, v18;
	v51 =	vld [tilespmem:s14+$0x1A10];
	[tilespmem:s13+$0x181E1] =	vst v44;
	v36 =	vadd.f32 v50, v28  }
0xf8: {  	v50 =	vld [tilespmem:s14+$0xBC90]  }
0xf9: {  	v0 =	vld [tilespmem:$0x1FE20]  }
0xfa: {  	v24 =	vld [tilespmem:$0x1FEA0]  }
0xfb: {  	v17 =	vld [tilespmem:$0x1FEF0]  }
0xfc: {  	v25 =	vld [tilespmem:$0x1FEC0]  }
0xfd: {  	v18 =	vld [tilespmem:$0x1FFC0]  }
0xfe: {  	[tilespmem:s13+$0x1A9A1] =	vst v55;
	v16 =	vld [tilespmem:$0x1FFE0]  }
0xff: {  	v2 =	vadd.f32 v40, v59;
	v55 =	vld [tilespmem:s14+$0x2B10];
	[tilespmem:s13+$0xC575] =	vst v36;
	v1 =	vadd.f32 v62, v54  }
0x100: {  	v3 =	vadd.f32 v61, v57;
	v36 =	vld [tilespmem:s14+$0xCD90]  }
0x101: {  	v54 =	vld [tilespmem:s14+$0x3D10];
	[tilespmem:s13+$0x229D] =	vst v2;
	v1 =	vadd.f32 v1, v60  }
0x102: {  	v40 =	vld [tilespmem:s14+$0xE090];
	v2 =	vadd.f32 v3, v60  }
0x103: {  	[tilespmem:s13+$0xA00] =	vst v1;
	v1 =	vadd.f32 v32, v59;
	v22 =	vadd.f32 v0, v28;
	v0 =	vld [tilespmem:$0x1FF20]  }
0x104: {  	v57 =	vld [tilespmem:s14+$0x5010];
	[tilespmem:s13+$0x1200] =	vst v2;
	v2 =	vadd.f32 v42, v59  }
0x105: {  	v41 =	vld [tilespmem:s14+$0xF410];
	[tilespmem:s13+$0x34A5] =	vst v1;
	v1 =	vadd.f32 v46, v59  }
0x106: {  	v60 =	vld [tilespmem:s14+$0x6410];
	[tilespmem:s13+$0x4782] =	vst v2;
	v2 =	vadd.f32 v53, v59  }
0x107: {  	v42 =	vld [tilespmem:s14+$0x10890];
	[tilespmem:s13+$0x5BB6] =	vst v1;
	v1 =	vadd.f32 v56, v59  }
0x108: {  	v4 =	vadd.f32 v43, v59;
	v53 =	vld [tilespmem:s14+$0x7890];
	[tilespmem:s13+$0x7067] =	vst v2;
	v2 =	vadd.f32 v58, v59  }
0x109: {  	v5 =	vadd.f32 v45, v59;
	v44 =	vld [tilespmem:s14+$0x11E10];
	[tilespmem:s13+$0x85EF] =	vst v1;
	v1 =	vadd.f32 v52, v59  }
0x10a: {  	v6 =	vadd.f32 v47, v59;
	v3 =	vadd.f32 $0.0e+00, v51;
	v56 =	vld [tilespmem:s14+$0x8E10];
	[tilespmem:s13+$0x9C2B] =	vst v2  }
0x10b: {  	v20 =	vadd.f32 v48, v59;
	v2 =	vadd.f32 v37, v59;
	v46 =	vld [tilespmem:s14+$0x13410];
	[tilespmem:s13+$0xB421] =	vst v1  }
0x10c: {  	v3 =	vadd.f32 v55, v3;
	v1 =	vadd.f32 v39, v59;
	v52 =	vld [tilespmem:s14+$0xA490]  }
0x10d: {  	v21 =	vadd.f32 v49, v59;
	[tilespmem:s13+$0xC565] =	vst v2;
	v2 =	vadd.f32 v38, v59;
	v59 =	vld [tilespmem:$0x1FFD0]  }
0x10e: {  	v3 =	vadd.f32 v54, v3;
	v37 =	vld [tilespmem:s14+$0x14A90];
	[tilespmem:s13+$0xD815] =	vst v1  }
0x10f: {  	v19 =	vadd.f32 $0.0e+00, v50;
	v1 =	vld [tilespmem:s14+$0x16310];
	[tilespmem:s13+$0xEBEC] =	vst v2  }
0x110: {  	v3 =	vadd.f32 v57, v3;
	v2 =	vld [tilespmem:s14+$0x18A10];
	[tilespmem:s13+$0x10067] =	vst v4  }
0x111: {  	v4 =	vld [tilespmem:s14+$0x16D90];
	[tilespmem:s13+$0x11597] =	vst v5;
	v5 =	vadd.f32 v36, v19  }
0x112: {  	v3 =	vadd.f32 v60, v3;
	v19 =	vld [tilespmem:$0x1FF90]  }
0x113: {  	v7 =	vld [tilespmem:s14+$0x19490];
	[tilespmem:s13+$0x12B9F] =	vst v6;
	v5 =	vadd.f32 v40, v5  }
0x114: {  	v3 =	vadd.f32 v53, v3;
	v6 =	vld [tilespmem:s14+$0x17790]  }
0x115: {  	v29 =	vadd.f32 v27, v28;
	[tilespmem:s13+$0x1424C] =	vst v20;
	v20 =	vld [tilespmem:$0x1FFB0];
	v5 =	vadd.f32 v41, v5  }
0x116: {  	v3 =	vadd.f32 v56, v3;
	v43 =	vld [tilespmem:s14+$0x19E90];
	[tilespmem:s13+$0x15A95] =	vst v21  }
0x117: {  	v39 =	vld [tilespmem:s14+$0x18110];
	[tilespmem:s13+$0xD825] =	vst v29;
	v5 =	vadd.f32 v42, v5  }
0x118: {  	v3 =	vadd.f32 v52, v3;
	v48 =	vld [tilespmem:s14+$0x1A890]  }
0x119: {  	v27 =	vmul.f32 v1, v24;
	[tilespmem:s13+$0xEBFC] =	vst v22;
	v22 =	vld [tilespmem:$0x1FF40];
	v5 =	vadd.f32 v44, v5  }
0x11a: {  	v23 =	vadd.f32 v33, v28;
	v1 =	vsub.f32 v1, v3;
	v21 =	vld [tilespmem:$0x1FE50]  }
0x11b: {  	v38 =	vadd.f32 v27, v3;
	v3 =	vmul.f32 v4, v17;
	v49 =	vld [tilespmem:s14+$0x1A00];
	v5 =	vadd.f32 v46, v5  }
0x11c: {  	v45 =	vadd.f32 v34, v28;
	[tilespmem:s13+$0x10077] =	vst v23;
	v23 =	vld [tilespmem:$0x1FF70]  }
0x11d: {  	v29 =	vld [tilespmem:s14+$0xBC80];
	[tilespmem:s14+$0x1653C] =	vst v38;
	v3 =	vadd.f32 v3, v1;
	v5 =	vadd.f32 v37, v5  }
0x11e: {  	v34 =	vld [tilespmem:s14+$0x2B00];
	v1 =	vsub.f32 v4, v1;
	[tilespmem:s13+$0x115A7] =	vst v45;
	v61 =	vmul.f32 v6, v22  }
0x11f: {  	v47 =	vmul.f32 v2, v25;
	v58 =	vld [tilespmem:s14+$0x10];
	[tilespmem:s14+$0x16F49] =	vst v3;
	v3 =	vmul.f32 v7, v0;
	v2 =	vsub.f32 v2, v5  }
0x120: {  	v32 =	vld [tilespmem:s14+$0xCD80];
	v4 =	vadd.f32 v61, v1;
	v1 =	vsub.f32 v6, v1  }
0x121: {  	v38 =	vld [tilespmem:s14+$0x3D00];
	v63 =	vmul.f32 v39, v19;
	v3 =	vadd.f32 v3, v2;
	v2 =	vsub.f32 v7, v2  }
0x122: {  	v33 =	vld [tilespmem:s14+$0xE080];
	v62 =	vadd.f32 v47, v5;
	[tilespmem:s14+$0x178E5] =	vst v4  }
0x123: {  	v45 =	vld [tilespmem:s14+$0x5000];
	v8 =	vadd.f32 v63, v1;
	[tilespmem:s14+$0x19660] =	vst v3;
	v3 =	vsub.f32 v43, v2  }
0x124: {  	v9 =	vadd.f32 v30, v28;
	v30 =	vld [tilespmem:s14+$0xF400];
	v1 =	vsub.f32 v39, v1;
	[tilespmem:s14+$0x18C53] =	vst v62  }
0x125: {  	[tilespmem:s14+$0x181F1] =	vst v8;
	v8 =	vld [tilespmem:$0x1FE70];
	v10 =	vsub.f32 v48, v3  }
0x126: {  	v11 =	vadd.f32 v31, v28;
	v13 =	vmul.f32 v1, v18;
	[tilespmem:s13+$0x12BAF] =	vst v9;
	v9 =	vld [tilespmem:$0x1FE30]  }
0x127: {  	v1 =	vmul.f32 v1, v59;
	v47 =	vld [tilespmem:s14+$0x6400];
	v4 =	vmul.f32 v10, v18  }
0x128: {  	v14 =	vadd.f32 v35, v28;
	[tilespmem:s13+$0x1425C] =	vst v11;
	v11 =	vld [tilespmem:$0x1FF30];
	v12 =	vmul.f32 v10, v59  }
0x129: {  	v15 =	vmul.f32 v58, v16;
	v31 =	vld [tilespmem:s14+$0x10880];
	v1 =	vadd.f32 v4, v1  }
0x12a: {  	[tilespmem:s13+$0x15AA5] =	vst v14;
	v14 =	vld [tilespmem:$0x1FE80];
	v5 =	vadd.f32 v12, v13  }
0x12b: {  	v7 =	vld [tilespmem:s14+$0x7880];
	v1 =	vadd.f32 v1, v15  }
0x12c: {  	v28 =	vadd.f32 $0.0e+00, v49;
	v35 =	vld [tilespmem:s14+$0x11E00];
	v5 =	vadd.f32 v5, v15  }
0x12d: {  	v39 =	vld [tilespmem:s14+$0x13400];
	[tilespmem:s14+$0xA10] =	vst v1;
	v1 =	vadd.f32 $0.0e+00, v29  }
0x12e: {  	v26 =	vmul.f32 v48, v20;
	v48 =	vld [tilespmem:s14+$0xA480];
	[tilespmem:s14+$0x1210] =	vst v5;
	v5 =	vadd.f32 v34, v28  }
0x12f: {  	v27 =	vmul.f32 v43, v23;
	v43 =	vld [tilespmem:s14+$0x14A80];
	v1 =	vadd.f32 v32, v1  }
0x130: {  	v10 =	vld [tilespmem:$0x1FF60];
	v5 =	vadd.f32 v38, v5  }
0x131: {  	v15 =	vld [tilespmem:$0x1FE60];
	v1 =	vadd.f32 v33, v1  }
0x132: {  	v61 =	vmul.f32 v51, v21;
	v21 =	vmul.f32 v49, v21;
	v4 =	vld [tilespmem:s14+$0x8E00];
	v5 =	vadd.f32 v45, v5  }
0x133: {  	v3 =	vadd.f32 v26, v3;
	v13 =	vld [tilespmem:$0x1FED0];
	v28 =	vmul.f32 $1.499999970e-02, v58;
	v1 =	vadd.f32 v30, v1  }
0x134: {  	v2 =	vadd.f32 v27, v2;
	v12 =	vld [tilespmem:$0x1FF00];
	v54 =	vmul.f32 v54, v14;
	v5 =	vadd.f32 v47, v5  }
0x135: {  	[tilespmem:s14+$0x1A9B1] =	vst v3;
	v3 =	vld [tilespmem:s14+$0x16300];
	v53 =	vmul.f32 v53, v11;
	v6 =	vadd.f32 v61, v28;
	v1 =	vadd.f32 v31, v1  }
0x136: {  	[tilespmem:s14+$0x1A01C] =	vst v2;
	v2 =	vld [tilespmem:s14+$0x18A00];
	v54 =	vadd.f32 v54, v28;
	v62 =	vmul.f32 v55, v15;
	v5 =	vadd.f32 v7, v5  }
0x137: {  	v63 =	vld [tilespmem:s14+$0x16D80];
	v56 =	vmul.f32 v56, v10;
	v53 =	vadd.f32 v53, v28;
	[tilespmem:s14+$0x22AD] =	vst v6;
	v1 =	vadd.f32 v35, v1  }
0x138: {  	v26 =	vmul.f32 v57, v13;
	[tilespmem:s14+$0x4792] =	vst v54;
	v54 =	vld [tilespmem:s14+$0x17780];
	v51 =	vadd.f32 v62, v28;
	v5 =	vadd.f32 v4, v5  }
0x139: {  	v27 =	vmul.f32 v60, v12;
	v56 =	vadd.f32 v56, v28;
	[tilespmem:s14+$0x85FF] =	vst v53;
	v6 =	vld [tilespmem:s14+$0x0];
	v1 =	vadd.f32 v39, v1  }
0x13a: {  	v52 =	vmul.f32 v52, v9;
	v55 =	vadd.f32 v26, v28;
	[tilespmem:s14+$0x34B5] =	vst v51;
	v51 =	vld [tilespmem:s14+$0x19480];
	v5 =	vadd.f32 v48, v5  }
0x13b: {  	v50 =	vmul.f32 v50, v8;
	v57 =	vadd.f32 v27, v28;
	[tilespmem:s14+$0x9C3B] =	vst v56;
	v1 =	vadd.f32 v43, v1  }
0x13c: {  	v60 =	vadd.f32 v52, v28;
	[tilespmem:s14+$0x5BC6] =	vst v55;
	v55 =	vld [tilespmem:s14+$0x19E80];
	v53 =	vsub.f32 v3, v5;
	v3 =	vmul.f32 v3, v24  }
0x13d: {  	[tilespmem:s14+$0x7077] =	vst v57;
	v57 =	vld [tilespmem:s14+$0x18100];
	v62 =	vmul.f32 v63, v17;
	v56 =	vmul.f32 v54, v22;
	v26 =	vsub.f32 v2, v1  }
0x13e: {  	v49 =	vld [tilespmem:s14+$0x1A880];
	v2 =	vmul.f32 v2, v25;
	v61 =	vsub.f32 v63, v53;
	v3 =	vadd.f32 v3, v5  }
0x13f: {  	[tilespmem:s14+$0xB431] =	vst v60;
	v24 =	vmul.f32 $1.499999970e-02, v6;
	v25 =	vadd.f32 v50, v28;
	v63 =	vsub.f32 v51, v26  }
0x140: {  	v1 =	vadd.f32 v2, v1;
	v2 =	vmul.f32 v51, v0;
	v51 =	vsub.f32 v54, v61;
	[tilespmem:s14+$0x1652C] =	vst v3  }
0x141: {  	v50 =	vmul.f32 v48, v9;
	v3 =	vadd.f32 v62, v53;
	[tilespmem:s14+$0xC575] =	vst v25;
	v58 =	vsub.f32 v55, v63  }
0x142: {  	[tilespmem:s14+$0x18C43] =	vst v1;
	v1 =	vadd.f32 v2, v26;
	v2 =	vmul.f32 v55, v23;
	v60 =	vsub.f32 v57, v51;
	v55 =	vld [tilespmem:$0x1FF10]  }
0x143: {  	[tilespmem:s14+$0x16F39] =	vst v3;
	v3 =	vadd.f32 v56, v61;
	v61 =	vmul.f32 v57, v19;
	v62 =	vsub.f32 v49, v58  }
0x144: {  	[tilespmem:s14+$0x19650] =	vst v1;
	v1 =	vadd.f32 v2, v63;
	v2 =	vmul.f32 v49, v20;
	v63 =	vmul.f32 v60, v59  }
0x145: {  	[tilespmem:s14+$0x178D5] =	vst v3;
	v3 =	vadd.f32 v61, v51;
	v23 =	vmul.f32 v60, v18;
	v18 =	vmul.f32 v62, v18  }
0x146: {  	[tilespmem:s14+$0x1A00C] =	vst v1;
	v1 =	vadd.f32 v2, v58;
	v2 =	vmul.f32 v62, v59  }
0x147: {  	v5 =	vadd.f32 v50, v24;
	v53 =	vld [tilespmem:$0x1FEB0];
	[tilespmem:s14+$0x181E1] =	vst v3;
	v56 =	vmul.f32 v31, v55;
	v26 =	vadd.f32 v18, v63  }
0x148: {  	v3 =	vmul.f32 v6, v16;
	[tilespmem:s14+$0x1A9A1] =	vst v1;
	v1 =	vadd.f32 v2, v23;
	v2 =	vadd.f32 v21, v24  }
0x149: {  	[tilespmem:s14+$0xB421] =	vst v5;
	v5 =	vadd.f32 v56, v24  }
0x14a: {  	v27 =	vmul.f32 v34, v15;
	v34 =	vadd.f32 v26, v3;
	[tilespmem:s14+$0x229D] =	vst v2  }
0x14b: {  	v14 =	vmul.f32 v38, v14;
	v1 =	vadd.f32 v1, v3;
	[tilespmem:s14+$0x11597] =	vst v5  }
0x14c: {  	v51 =	vld [tilespmem:$0x1FE90];
	v61 =	vmul.f32 v40, v53;
	v3 =	vadd.f32 v27, v24;
	[tilespmem:s14+$0xA00] =	vst v34  }
0x14d: {  	v2 =	vmul.f32 v45, v13;
	v45 =	vmul.f32 v47, v12;
	v47 =	vadd.f32 v14, v24;
	[tilespmem:s14+$0x1200] =	vst v1  }
0x14e: {  	v5 =	vadd.f32 v61, v28;
	[tilespmem:s14+$0x34A5] =	vst v3  }
0x14f: {  	v54 =	vld [tilespmem:$0x1FEE0];
	v1 =	vmul.f32 v7, v11;
	v2 =	vadd.f32 v2, v24;
	[tilespmem:s14+$0x4782] =	vst v47  }
0x150: {  	v58 =	vld [tilespmem:$0x1FF80];
	v3 =	vmul.f32 v4, v10;
	v49 =	vadd.f32 v45, v24;
	[tilespmem:s14+$0xEBFC] =	vst v5  }
0x151: {  	v57 =	vld [tilespmem:$0x1FF50];
	v52 =	vmul.f32 v32, v51;
	v1 =	vadd.f32 v1, v24;
	[tilespmem:s14+$0x5BB6] =	vst v2  }
0x152: {  	v60 =	vld [tilespmem:$0x1FFA0];
	v2 =	vmul.f32 v29, v8;
	v3 =	vadd.f32 v3, v24;
	[tilespmem:s14+$0x7067] =	vst v49  }
0x153: {  	v4 =	vadd.f32 v52, v24;
	[tilespmem:s14+$0x85EF] =	vst v1;
	v1 =	vmul.f32 v33, v53  }
0x154: {  	v2 =	vadd.f32 v2, v24;
	[tilespmem:s14+$0x9C2B] =	vst v3;
	v3 =	vmul.f32 v30, v54  }
0x155: {  	v59 =	vmul.f32 v39, v58;
	[tilespmem:s14+$0xD815] =	vst v4;
	v1 =	vadd.f32 v1, v24  }
0x156: {  	[tilespmem:s14+$0xC565] =	vst v2;
	v2 =	vmul.f32 v35, v57;
	v3 =	vadd.f32 v3, v24  }
0x157: {  	v4 =	vadd.f32 v59, v24;
	[tilespmem:s14+$0xEBEC] =	vst v1;
	v1 =	vmul.f32 v43, v60  }
0x158: {  	v2 =	vadd.f32 v2, v24;
	[tilespmem:s14+$0x10067] =	vst v3;
	v3 =	vmul.f32 v36, v51  }
0x159: {  	v62 =	vmul.f32 v42, v55;
	[tilespmem:s14+$0x1424C] =	vst v4;
	v1 =	vadd.f32 v1, v24  }
0x15a: {  	[tilespmem:s14+$0x12B9F] =	vst v2;
	v2 =	vmul.f32 v41, v54;
	v3 =	vadd.f32 v3, v28  }
0x15b: {  	v4 =	vadd.f32 v62, v28;
	[tilespmem:s14+$0x15A95] =	vst v1;
	v1 =	vmul.f32 v44, v57  }
0x15c: {  	v2 =	vadd.f32 v2, v28;
	[tilespmem:s14+$0xD825] =	vst v3;
	v3 =	vmul.f32 v46, v58  }
0x15d: {  	v63 =	vmul.f32 v37, v60;
	[tilespmem:s14+$0x115A7] =	vst v4;
	v1 =	vadd.f32 v1, v28  }
0x15e: {  	[tilespmem:s14+$0x10077] =	vst v2;
	v2 =	vadd.f32 v3, v28  }
0x15f: {  	v3 =	vadd.f32 v63, v28;
	[tilespmem:s14+$0x12BAF] =	vst v1  }
0x160: {  	[tilespmem:s14+$0x1425C] =	vst v2  }
0x161: {  	[tilespmem:s14+$0x15AA5] =	vst v3  }
0x162: {  	[hbm4b:s4+s7] =	stream.linear.scatter [tilespmem:s10], [sflag:$0x1], $0x800, $0x38;
	[tilespmem:$0x1B200] =	vst v63  }
0x163: {  	s12 =	sadd.s32 $0x1, s12;
	_ =	swait.ge [sflag:s8], $0x800  }
0x164: {  	p0 =	sne.s32 s12, s6;
	[sflag:s8] =	ssyncset.done $0x0  }
.Ltmp4:
0x165: {  	[sflag:s8] =	ssyncadd.s32 $0xFFFFF800;
	(pc) =	sbr.rel @p0 .LBB2_2-.Ltmp4, $4  }
0x166: {  	[hbm4b:s5+s7] =	stream.linear.scatter [tilespmem:s11], [sflag:$0x1], $0x800, $0x38;
	[tilespmem:$0x1B200] =	vst v63  }
0x167: {  	_ =	swait.ge [sflag:s8], $0x800  }
0x168: {  	[sflag:s8] =	ssyncset.done $0x0  }
0x169: {  	v0 =	vimm.f32 $0.0e+00;
	[sflag:s8] =	ssyncadd.s32 $0xFFFFF800  }
.LBB2_9:
0x16a: {  	_ =	sfence.sel $0x180000  }
0x16b: {  	[bflag:$0x0] =	sbarrier.arrive $0xFFFF  }
0x16c: {  	p0 =	sne.s32 s0, $0x0;
	_ =	strace $0x90000047  }
0x16d: {  	s0 =	sadd.s32 @!p0 $0x100000, s2;
	[bflag:$0x2] =	sbarrier.arrive $0xFFFF  }
0x16e: {  	[sflag:s0] =	ssyncadd.tile.s32 @!p0 $0x1;
	_ =	shalt  }
.Lfunc_end2:
_tile_overlayer_lowered:
.L_overlay_start_2:
0x16f: {  	(tag) =	ssettag $0x2  }
0x170: {  	s0 =	rddreg [dreg:$0x0];
	s2 =	stileid.u32  }
0x171: {  	s1 =	rddreg [dreg:$0x1];
	p0 =	sne.s32 s2, $0x0  }
0x172: {  	s3 =	rddreg [dreg:$0x2];
	[bflag:$0x3] =	sbarrier.arrive $0xFFFF;
	s2 =	simm.s32 @!p0 $0x1C01  }
0x173: {  	[timem:s3], [sflag:s2] =	dma.local @!p0 [hbm:s0], s1  }
0x174: {  	s0 =	simm.s32 @!p0 $0x1  }
0x175: {  	_ =	swait.ge @!p0 [sflag:s0], s1  }
0x176: {  	s1 =	ssub.s32 @!p0 $0x0, s1;
	[sflag:s0] =	ssyncset.done @!p0 $0x0  }
0x177: {  	[sflag:s0] =	ssyncadd.s32 @!p0 s1  }
0x178: {  	[bflag:$0x3] =	sbarrier.arrive $0xFFFF  }
0x179: {  	_ =	shalt  }

</sc_bundles>
